<compile_context>
chip_gen: v7x
topology: tpu7x:2x2x1
jax: 0.10.2.dev20260603
libtpu: 0.0.44.dev20260713+nightly
codegen_flags: <defaults>
</compile_context>

<pallas_src>
import functools
import math

import jax
import jax.numpy as jnp
from jax import lax
from jax.experimental import pallas as pl
from jax.experimental.pallas import tpu as pltpu
from jax.experimental.pallas import tpu_sc as plsc

VOCAB = 1000000
EMBED_DIM = 64
BATCH = 4096
HIST = 200

_NC = 2
_NS = 16
_NW = _NC * _NS
_BW = BATCH // _NW
_WIDE = 2 * EMBED_DIM
_L = 16
_BG = _BW // _L
_DG = EMBED_DIM // 8
_SCALE = math.sqrt(EMBED_DIM)


def _emb_body(idx_hbm, tab_hbm, out_hbm,
              idx_all, rows0, rows1, tile0, tile1,
              gsem0, gsem1, osem0, osem1):
    wid = lax.axis_index("s") * _NC + lax.axis_index("c")
    iota16 = lax.iota(jnp.int32, 16)

    bufs = ((rows0, tile0, gsem0, osem0),
            (rows1, tile1, gsem1, osem1))

    pltpu.sync_copy(
        idx_hbm.at[pl.ds(0, HIST), pl.ds(wid * _BW, _BW)], idx_all)

    def start_gather(h, rows, gsem):
        pltpu.async_copy(tab_hbm.at[idx_all.at[h]], rows, gsem)

    def wait_gather(rows, gsem):
        pltpu.make_async_copy(tab_hbm.at[idx_all.at[0]], rows, gsem).wait()

    def transpose_scale(rows, tile):
        def body(k, carry):
            dvec = (iota16 + k) & 63
            dgv = lax.shift_right_logical(dvec, 3)
            dsv = dvec & 7
            for g in range(_BG):
                rowv = iota16 + g * _L
                v = plsc.load_gather(rows, [rowv, dvec])
                plsc.store_scatter(tile, [dgv, dsv, rowv], v * _SCALE)
            return carry

        lax.fori_loop(0, EMBED_DIM, body, 0, unroll=4)

    def start_out(h, tile, osem):
        pltpu.async_copy(tile, out_hbm.at[h, :, wid], osem)

    def wait_out(tile, osem):
        pltpu.make_async_copy(tile, out_hbm.at[0, :, wid], osem).wait()

    start_gather(0, rows0, gsem0)

    def step(j2, carry):
        for b in range(2):
            rows_b, tile_b, gsem_b, osem_b = bufs[b]
            rows_o, tile_o, gsem_o, osem_o = bufs[1 - b]
            cur = j2 * 2 + b

            @pl.when((cur >= 1) & (cur + 1 < HIST))
            def _():
                wait_out(tile_o, osem_o)

            @pl.when(cur + 1 < HIST)
            def _():
                start_gather(cur + 1, rows_o, gsem_o)

            wait_gather(rows_b, gsem_b)
            transpose_scale(rows_b, tile_b)
            start_out(cur, tile_b, osem_b)
        return carry

    lax.fori_loop(0, HIST // 2, step, 0)

    wait_out(tile0, osem0)
    wait_out(tile1, osem1)


_mesh = plsc.VectorSubcoreMesh(core_axis_name="c", subcore_axis_name="s")

_emb = functools.partial(
    pl.kernel,
    mesh=_mesh,
    out_type=jax.ShapeDtypeStruct((HIST, _DG, _NW, 8, 128), jnp.float32),
    scratch_types=[
        pltpu.VMEM((HIST, _BW), jnp.int32),
        pltpu.VMEM((_BW, _WIDE), jnp.float32),
        pltpu.VMEM((_BW, _WIDE), jnp.float32),
        pltpu.VMEM((_DG, 8, _BW), jnp.float32),
        pltpu.VMEM((_DG, 8, _BW), jnp.float32),
        pltpu.SemaphoreType.DMA,
        pltpu.SemaphoreType.DMA,
        pltpu.SemaphoreType.DMA,
        pltpu.SemaphoreType.DMA,
    ],
    compiler_params=pltpu.CompilerParams(
        use_tc_tiling_on_sc=False, needs_layout_passes=False),
)(_emb_body)


def kernel(x, table):
    xt = x.T.astype(jnp.int32)
    wide = jnp.pad(table, ((0, 0), (0, EMBED_DIM)))
    out5 = _emb(xt, wide)
    return out5.transpose(2, 4, 0, 1, 3).reshape(BATCH, HIST, EMBED_DIM)

# --- scband reference (transcript-rebuilt; emitter-appended) ---
"""Pipeline reference for scband-token-embedding-54056458387600 (READ-ONLY COPY).

The authoritative reference and input builder live on the scoring server;
editing this copy changes nothing except your own understanding.
"""

import jax, jax.numpy as jnp
import numpy as np
import math

VOCAB = 1000000
EMBED_DIM = 64
BATCH = 4096
HIST = 200

def setup_inputs(seed: int = 0) -> dict:
    key = jax.random.key(seed)
    k_idx, k_tab = jax.random.split(key)
    x = jax.random.randint(k_idx, (BATCH, HIST), 0, VOCAB, dtype=jnp.int64 if jax.config.jax_enable_x64 else jnp.int32)
    table = jax.random.normal(k_tab, (VOCAB, EMBED_DIM), dtype=jnp.float32) * 0.02
    return {"x": x, "table": table}

def reference(x, table):
    # nn.Embedding lookup followed by scaling by sqrt(embedding_dim)
    emb = jnp.take(table, x, axis=0)
    return emb * math.sqrt(EMBED_DIM)

if __name__ == "__main__":
    import jax
    _d = setup_inputs()
    print(jax.jit(kernel)(*tuple(_d.values())))

</pallas_src>

<mosaic_0001>
#map = affine_map<(d0, d1) -> (0, 0)>
#map1 = affine_map<(d0, d1) -> (0, 0, 0, 0, 0)>
module attributes {stable_mosaic.version = 14 : i64} {
  func.func @_emb_body(%arg0: i32, %arg1: i32, %arg2: memref<200x4096xi32, #tpu.memory_space<hbm>>, %arg3: memref<1000000x128xf32, #tpu.memory_space<hbm>>, %arg4: memref<200x8x32x8x128xf32, #tpu.memory_space<hbm>>, %arg5: memref<200x128xi32, #tpu.memory_space<vmem>>, %arg6: memref<128x128xf32, #tpu.memory_space<vmem>>, %arg7: memref<128x128xf32, #tpu.memory_space<vmem>>, %arg8: memref<8x8x128xf32, #tpu.memory_space<vmem>>, %arg9: memref<8x8x128xf32, #tpu.memory_space<vmem>>, %arg10: memref<!tpu.dma_semaphore, #tpu.memory_space<semaphore_mem>>, %arg11: memref<!tpu.dma_semaphore, #tpu.memory_space<semaphore_mem>>, %arg12: memref<!tpu.dma_semaphore, #tpu.memory_space<semaphore_mem>>, %arg13: memref<!tpu.dma_semaphore, #tpu.memory_space<semaphore_mem>>) attributes {dimension_semantics = [#tpu.dimension_semantics<core_parallel>, #tpu.dimension_semantics<subcore_parallel>], iteration_bounds = array<i64: 2, 16>, scalar_prefetch = 0 : i64, scratch_operands = 9 : i64, tpu.core_type = #tpu.core_type<sc_vector_subcore>, window_params = [{transform_indices = #map}, {transform_indices = #map}, {transform_indices = #map1}]} {
    %mul3A = arith.constant 2 : i32
    %mul3A_0 = arith.muli %arg1, %mul3A : i32
    %add3A = arith.addi %mul3A_0, %arg0 : i32
    %iota3A = tpu.iota {dimensions = array<i32: 0>} : vector<16xi32>
    %mul3A_1 = arith.constant 128 : i32
    %mul3A_2 = arith.muli %add3A, %mul3A_1 : i32
    "tpu.region"() ({
      %run_scoped3A = tpu.sem_alloc : memref<!tpu.dma_semaphore, #tpu.memory_space<semaphore_mem>>
      %dma_start3A_35 = arith.constant 0 : i32
      %dma_start3A_36 = tpu.memref_slice %arg2[%dma_start3A_35, %mul3A_2] : memref<200x4096xi32, #tpu.memory_space<hbm>> -> memref<200x128xi32, #tpu.memory_space<hbm>>
      %dma_start3A_37 = arith.constant 0 : i32
      %dma_start3A_38 = tpu.memref_slice %arg2[%dma_start3A_37, %mul3A_2] : memref<200x4096xi32, #tpu.memory_space<hbm>> -> memref<200x128xi32, #tpu.memory_space<hbm>>
      tpu.enqueue_dma source(%dma_start3A_38 : memref<200x128xi32, #tpu.memory_space<hbm>>) target(%arg5 : memref<200x128xi32, #tpu.memory_space<vmem>>) target_semaphore(%run_scoped3A : memref<!tpu.dma_semaphore, #tpu.memory_space<semaphore_mem>>)
      %dma_wait3A_39 = arith.constant 0 : i32
      %dma_wait3A_40 = tpu.memref_slice %arg2[%dma_wait3A_39, %mul3A_2] : memref<200x4096xi32, #tpu.memory_space<hbm>> -> memref<200x128xi32, #tpu.memory_space<hbm>>
      %dma_wait3A_41 = arith.constant 0 : i32
      %dma_wait3A_42 = tpu.memref_slice %arg2[%dma_wait3A_41, %mul3A_2] : memref<200x4096xi32, #tpu.memory_space<hbm>> -> memref<200x128xi32, #tpu.memory_space<hbm>>
      tpu.wait_dma2 semaphore(%run_scoped3A : memref<!tpu.dma_semaphore, #tpu.memory_space<semaphore_mem>>) src(%dma_wait3A_42 : memref<200x128xi32, #tpu.memory_space<hbm>>) dst(%arg5 : memref<200x128xi32, #tpu.memory_space<vmem>>)
      tpu.yield
    }) : () -> ()
    %dma_start3A = arith.constant 0 : i32
    %dma_start3A_3 = arith.constant 0 : i32
    %dma_start3A_4 = tpu.memref_slice %arg5[%dma_start3A, %dma_start3A_3] : memref<200x128xi32, #tpu.memory_space<vmem>> -> memref<1x128xi32, #tpu.memory_space<vmem>>
    %dma_start3A_5 = tpu.memref_squeeze %dma_start3A_4 : memref<1x128xi32, #tpu.memory_space<vmem>> -> memref<128xi32, #tpu.memory_space<vmem>>
    %dma_start3A_6 = arith.constant 0 : i32
    %dma_start3A_7 = arith.constant 0 : i32
    %dma_start3A_8 = tpu.memref_slice %arg3[%dma_start3A_6, %dma_start3A_7] : memref<1000000x128xf32, #tpu.memory_space<hbm>> -> memref<1000000x128xf32, #tpu.memory_space<hbm>>
    tpu.enqueue_indirect_dma source(%dma_start3A_8 : memref<1000000x128xf32, #tpu.memory_space<hbm>>) target(%arg6 : memref<128x128xf32, #tpu.memory_space<vmem>>) offsets(%dma_start3A_5 : memref<128xi32, #tpu.memory_space<vmem>>) semaphore(%arg10 : memref<!tpu.dma_semaphore, #tpu.memory_space<semaphore_mem>>)
    %scan3A = arith.constant 0 : i32
    %scan3A_9 = arith.constant 0 : i32
    %scan3A_10 = arith.constant 100 : i32
    %scan3A_11 = arith.addi %scan3A_9, %scan3A_10 : i32
    %scan3A_12 = arith.constant 1 : i32
    scf.for %scan3A_35 = %scan3A_9 to %scan3A_11 step %scan3A_12  : i32 {
      %mul3A_36 = arith.constant 2 : i32
      %mul3A_37 = arith.muli %scan3A_35, %mul3A_36 : i32
      %add3A_38 = arith.constant 0 : i32
      %add3A_39 = arith.addi %mul3A_37, %add3A_38 : i32
      %ge3A = arith.constant 1 : i32
      %ge3A_40 = arith.cmpi sge, %add3A_39, %ge3A : i32
      %add3A_41 = arith.constant 1 : i32
      %add3A_42 = arith.addi %add3A_39, %add3A_41 : i32
      %lt3A = arith.constant 200 : i32
      %lt3A_43 = arith.cmpi slt, %add3A_42, %lt3A : i32
      %and3A = arith.andi %ge3A_40, %lt3A_43 : i1
      %convert_element_type3A = arith.extui %and3A : i1 to i32
      %cond3A = arith.constant 0 : i32
      %cond3A_44 = arith.cmpi ne, %convert_element_type3A, %cond3A : i32
      scf.if %cond3A_44 {
        %dma_wait3A_119 = arith.constant 0 : i32
        %dma_wait3A_120 = arith.constant 0 : i32
        %dma_wait3A_121 = arith.constant 0 : i32
        %dma_wait3A_122 = arith.constant 0 : i32
        %dma_wait3A_123 = tpu.memref_slice %arg4[%dma_wait3A_119, %dma_wait3A_120, %add3A, %dma_wait3A_121, %dma_wait3A_122] : memref<200x8x32x8x128xf32, #tpu.memory_space<hbm>> -> memref<1x8x1x8x128xf32, #tpu.memory_space<hbm>>
        %dma_wait3A_124 = tpu.memref_squeeze %dma_wait3A_123 : memref<1x8x1x8x128xf32, #tpu.memory_space<hbm>> -> memref<8x8x128xf32, #tpu.memory_space<hbm>>
        %dma_wait3A_125 = arith.constant 0 : i32
        %dma_wait3A_126 = arith.constant 0 : i32
        %dma_wait3A_127 = arith.constant 0 : i32
        %dma_wait3A_128 = tpu.memref_slice %arg4[%dma_wait3A_119, %dma_wait3A_125, %add3A, %dma_wait3A_126, %dma_wait3A_127] : memref<200x8x32x8x128xf32, #tpu.memory_space<hbm>> -> memref<1x8x1x8x128xf32, #tpu.memory_space<hbm>>
        %dma_wait3A_129 = tpu.memref_squeeze %dma_wait3A_128 : memref<1x8x1x8x128xf32, #tpu.memory_space<hbm>> -> memref<8x8x128xf32, #tpu.memory_space<hbm>>
        tpu.wait_dma2 semaphore(%arg13 : memref<!tpu.dma_semaphore, #tpu.memory_space<semaphore_mem>>) src(%arg9 : memref<8x8x128xf32, #tpu.memory_space<vmem>>) dst(%dma_wait3A_129 : memref<8x8x128xf32, #tpu.memory_space<hbm>>)
      } else {
      }
      %add3A_45 = arith.constant 1 : i32
      %add3A_46 = arith.addi %add3A_39, %add3A_45 : i32
      %lt3A_47 = arith.constant 200 : i32
      %lt3A_48 = arith.cmpi slt, %add3A_46, %lt3A_47 : i32
      %convert_element_type3A_49 = arith.extui %lt3A_48 : i1 to i32
      %cond3A_50 = arith.constant 0 : i32
      %cond3A_51 = arith.cmpi ne, %convert_element_type3A_49, %cond3A_50 : i32
      scf.if %cond3A_51 {
        %add3A_119 = arith.constant 1 : i32
        %add3A_120 = arith.addi %add3A_39, %add3A_119 : i32
        %dma_start3A_121 = arith.constant 0 : i32
        %dma_start3A_122 = tpu.memref_slice %arg5[%add3A_120, %dma_start3A_121] : memref<200x128xi32, #tpu.memory_space<vmem>> -> memref<1x128xi32, #tpu.memory_space<vmem>>
        %dma_start3A_123 = tpu.memref_squeeze %dma_start3A_122 : memref<1x128xi32, #tpu.memory_space<vmem>> -> memref<128xi32, #tpu.memory_space<vmem>>
        %dma_start3A_124 = arith.constant 0 : i32
        %dma_start3A_125 = arith.constant 0 : i32
        %dma_start3A_126 = tpu.memref_slice %arg3[%dma_start3A_124, %dma_start3A_125] : memref<1000000x128xf32, #tpu.memory_space<hbm>> -> memref<1000000x128xf32, #tpu.memory_space<hbm>>
        tpu.enqueue_indirect_dma source(%dma_start3A_126 : memref<1000000x128xf32, #tpu.memory_space<hbm>>) target(%arg7 : memref<128x128xf32, #tpu.memory_space<vmem>>) offsets(%dma_start3A_123 : memref<128xi32, #tpu.memory_space<vmem>>) semaphore(%arg11 : memref<!tpu.dma_semaphore, #tpu.memory_space<semaphore_mem>>)
      } else {
      }
      %dma_wait3A_52 = arith.constant 0 : i32
      %dma_wait3A_53 = arith.constant 0 : i32
      %dma_wait3A_54 = tpu.memref_slice %arg5[%dma_wait3A_52, %dma_wait3A_53] : memref<200x128xi32, #tpu.memory_space<vmem>> -> memref<1x128xi32, #tpu.memory_space<vmem>>
      %dma_wait3A_55 = tpu.memref_squeeze %dma_wait3A_54 : memref<1x128xi32, #tpu.memory_space<vmem>> -> memref<128xi32, #tpu.memory_space<vmem>>
      %dma_wait3A_56 = arith.constant 0 : i32
      %dma_wait3A_57 = arith.constant 0 : i32
      %dma_wait3A_58 = tpu.memref_slice %arg3[%dma_wait3A_56, %dma_wait3A_57] : memref<1000000x128xf32, #tpu.memory_space<hbm>> -> memref<1000000x128xf32, #tpu.memory_space<hbm>>
      tpu.wait_indirect_dma semaphore(%arg10 : memref<!tpu.dma_semaphore, #tpu.memory_space<semaphore_mem>>) src(%dma_wait3A_58 : memref<1000000x128xf32, #tpu.memory_space<hbm>>) dst(%arg6 : memref<128x128xf32, #tpu.memory_space<vmem>>)
      %scan3A_59 = arith.constant 0 : i32
      %scan3A_60 = arith.constant 0 : i32
      %scan3A_61 = arith.constant 64 : i32
      %scan3A_62 = arith.addi %scan3A_60, %scan3A_61 : i32
      %scan3A_63 = arith.constant 4 : i32
      scf.for %scan3A_119 = %scan3A_60 to %scan3A_62 step %scan3A_63  : i32 {
        %add3A_120 = vector.broadcast %scan3A_119 : i32 to vector<16xi32>
        %add3A_121 = arith.addi %iota3A, %add3A_120 : vector<16xi32>
        %and3A_122 = arith.constant 63 : i32
        %and3A_123 = vector.broadcast %and3A_122 : i32 to vector<16xi32>
        %and3A_124 = arith.andi %add3A_121, %and3A_123 : vector<16xi32>
        %shift_right_logical3A = arith.constant 3 : i32
        %shift_right_logical3A_125 = vector.broadcast %shift_right_logical3A : i32 to vector<16xi32>
        %shift_right_logical3A_126 = arith.shrui %and3A_124, %shift_right_logical3A_125 : vector<16xi32>
        %and3A_127 = arith.constant 7 : i32
        %and3A_128 = vector.broadcast %and3A_127 : i32 to vector<16xi32>
        %and3A_129 = arith.andi %and3A_124, %and3A_128 : vector<16xi32>
        %add3A_130 = arith.constant 0 : i32
        %add3A_131 = vector.broadcast %add3A_130 : i32 to vector<16xi32>
        %add3A_132 = arith.addi %iota3A, %add3A_131 : vector<16xi32>
        %gather3A = tpu.vector_load_idx %arg6[%add3A_132, %and3A_124] : memref<128x128xf32, #tpu.memory_space<vmem>>[vector<16xi32>, vector<16xi32>], vector<16xf32>,
        %mul3A_133 = arith.constant 8.000000e+00 : f32
        %mul3A_134 = vector.broadcast %mul3A_133 : f32 to vector<16xf32>
        %mul3A_135 = arith.mulf %gather3A, %mul3A_134 : vector<16xf32>
        tpu.vector_store_idx %arg8[%shift_right_logical3A_126, %and3A_129, %add3A_132], %mul3A_135 : memref<8x8x128xf32, #tpu.memory_space<vmem>>[vector<16xi32>, vector<16xi32>, vector<16xi32>], vector<16xf32>,
        %add3A_136 = arith.constant 16 : i32
        %add3A_137 = vector.broadcast %add3A_136 : i32 to vector<16xi32>
        %add3A_138 = arith.addi %iota3A, %add3A_137 : vector<16xi32>
        %gather3A_139 = tpu.vector_load_idx %arg6[%add3A_138, %and3A_124] : memref<128x128xf32, #tpu.memory_space<vmem>>[vector<16xi32>, vector<16xi32>], vector<16xf32>,
        %mul3A_140 = arith.constant 8.000000e+00 : f32
        %mul3A_141 = vector.broadcast %mul3A_140 : f32 to vector<16xf32>
        %mul3A_142 = arith.mulf %gather3A_139, %mul3A_141 : vector<16xf32>
        tpu.vector_store_idx %arg8[%shift_right_logical3A_126, %and3A_129, %add3A_138], %mul3A_142 : memref<8x8x128xf32, #tpu.memory_space<vmem>>[vector<16xi32>, vector<16xi32>, vector<16xi32>], vector<16xf32>,
        %add3A_143 = arith.constant 32 : i32
        %add3A_144 = vector.broadcast %add3A_143 : i32 to vector<16xi32>
        %add3A_145 = arith.addi %iota3A, %add3A_144 : vector<16xi32>
        %gather3A_146 = tpu.vector_load_idx %arg6[%add3A_145, %and3A_124] : memref<128x128xf32, #tpu.memory_space<vmem>>[vector<16xi32>, vector<16xi32>], vector<16xf32>,
        %mul3A_147 = arith.constant 8.000000e+00 : f32
        %mul3A_148 = vector.broadcast %mul3A_147 : f32 to vector<16xf32>
        %mul3A_149 = arith.mulf %gather3A_146, %mul3A_148 : vector<16xf32>
        tpu.vector_store_idx %arg8[%shift_right_logical3A_126, %and3A_129, %add3A_145], %mul3A_149 : memref<8x8x128xf32, #tpu.memory_space<vmem>>[vector<16xi32>, vector<16xi32>, vector<16xi32>], vector<16xf32>,
        %add3A_150 = arith.constant 48 : i32
        %add3A_151 = vector.broadcast %add3A_150 : i32 to vector<16xi32>
        %add3A_152 = arith.addi %iota3A, %add3A_151 : vector<16xi32>
        %gather3A_153 = tpu.vector_load_idx %arg6[%add3A_152, %and3A_124] : memref<128x128xf32, #tpu.memory_space<vmem>>[vector<16xi32>, vector<16xi32>], vector<16xf32>,
        %mul3A_154 = arith.constant 8.000000e+00 : f32
        %mul3A_155 = vector.broadcast %mul3A_154 : f32 to vector<16xf32>
        %mul3A_156 = arith.mulf %gather3A_153, %mul3A_155 : vector<16xf32>
        tpu.vector_store_idx %arg8[%shift_right_logical3A_126, %and3A_129, %add3A_152], %mul3A_156 : memref<8x8x128xf32, #tpu.memory_space<vmem>>[vector<16xi32>, vector<16xi32>, vector<16xi32>], vector<16xf32>,
        %add3A_157 = arith.constant 64 : i32
        %add3A_158 = vector.broadcast %add3A_157 : i32 to vector<16xi32>
        %add3A_159 = arith.addi %iota3A, %add3A_158 : vector<16xi32>
        %gather3A_160 = tpu.vector_load_idx %arg6[%add3A_159, %and3A_124] : memref<128x128xf32, #tpu.memory_space<vmem>>[vector<16xi32>, vector<16xi32>], vector<16xf32>,
        %mul3A_161 = arith.constant 8.000000e+00 : f32
        %mul3A_162 = vector.broadcast %mul3A_161 : f32 to vector<16xf32>
        %mul3A_163 = arith.mulf %gather3A_160, %mul3A_162 : vector<16xf32>
        tpu.vector_store_idx %arg8[%shift_right_logical3A_126, %and3A_129, %add3A_159], %mul3A_163 : memref<8x8x128xf32, #tpu.memory_space<vmem>>[vector<16xi32>, vector<16xi32>, vector<16xi32>], vector<16xf32>,
        %add3A_164 = arith.constant 80 : i32
        %add3A_165 = vector.broadcast %add3A_164 : i32 to vector<16xi32>
        %add3A_166 = arith.addi %iota3A, %add3A_165 : vector<16xi32>
        %gather3A_167 = tpu.vector_load_idx %arg6[%add3A_166, %and3A_124] : memref<128x128xf32, #tpu.memory_space<vmem>>[vector<16xi32>, vector<16xi32>], vector<16xf32>,
        %mul3A_168 = arith.constant 8.000000e+00 : f32
        %mul3A_169 = vector.broadcast %mul3A_168 : f32 to vector<16xf32>
        %mul3A_170 = arith.mulf %gather3A_167, %mul3A_169 : vector<16xf32>
        tpu.vector_store_idx %arg8[%shift_right_logical3A_126, %and3A_129, %add3A_166], %mul3A_170 : memref<8x8x128xf32, #tpu.memory_space<vmem>>[vector<16xi32>, vector<16xi32>, vector<16xi32>], vector<16xf32>,
        %add3A_171 = arith.constant 96 : i32
        %add3A_172 = vector.broadcast %add3A_171 : i32 to vector<16xi32>
        %add3A_173 = arith.addi %iota3A, %add3A_172 : vector<16xi32>
        %gather3A_174 = tpu.vector_load_idx %arg6[%add3A_173, %and3A_124] : memref<128x128xf32, #tpu.memory_space<vmem>>[vector<16xi32>, vector<16xi32>], vector<16xf32>,
        %mul3A_175 = arith.constant 8.000000e+00 : f32
        %mul3A_176 = vector.broadcast %mul3A_175 : f32 to vector<16xf32>
        %mul3A_177 = arith.mulf %gather3A_174, %mul3A_176 : vector<16xf32>
        tpu.vector_store_idx %arg8[%shift_right_logical3A_126, %and3A_129, %add3A_173], %mul3A_177 : memref<8x8x128xf32, #tpu.memory_space<vmem>>[vector<16xi32>, vector<16xi32>, vector<16xi32>], vector<16xf32>,
        %add3A_178 = arith.constant 112 : i32
        %add3A_179 = vector.broadcast %add3A_178 : i32 to vector<16xi32>
        %add3A_180 = arith.addi %iota3A, %add3A_179 : vector<16xi32>
        %gather3A_181 = tpu.vector_load_idx %arg6[%add3A_180, %and3A_124] : memref<128x128xf32, #tpu.memory_space<vmem>>[vector<16xi32>, vector<16xi32>], vector<16xf32>,
        %mul3A_182 = arith.constant 8.000000e+00 : f32
        %mul3A_183 = vector.broadcast %mul3A_182 : f32 to vector<16xf32>
        %mul3A_184 = arith.mulf %gather3A_181, %mul3A_183 : vector<16xf32>
        tpu.vector_store_idx %arg8[%shift_right_logical3A_126, %and3A_129, %add3A_180], %mul3A_184 : memref<8x8x128xf32, #tpu.memory_space<vmem>>[vector<16xi32>, vector<16xi32>, vector<16xi32>], vector<16xf32>,
        %scan3A_185 = arith.constant 1 : i32
        %scan3A_186 = arith.addi %scan3A_119, %scan3A_185 : i32
        %add3A_187 = vector.broadcast %scan3A_186 : i32 to vector<16xi32>
        %add3A_188 = arith.addi %iota3A, %add3A_187 : vector<16xi32>
        %and3A_189 = arith.constant 63 : i32
        %and3A_190 = vector.broadcast %and3A_189 : i32 to vector<16xi32>
        %and3A_191 = arith.andi %add3A_188, %and3A_190 : vector<16xi32>
        %shift_right_logical3A_192 = arith.constant 3 : i32
        %shift_right_logical3A_193 = vector.broadcast %shift_right_logical3A_192 : i32 to vector<16xi32>
        %shift_right_logical3A_194 = arith.shrui %and3A_191, %shift_right_logical3A_193 : vector<16xi32>
        %and3A_195 = arith.constant 7 : i32
        %and3A_196 = vector.broadcast %and3A_195 : i32 to vector<16xi32>
        %and3A_197 = arith.andi %and3A_191, %and3A_196 : vector<16xi32>
        %add3A_198 = arith.constant 0 : i32
        %add3A_199 = vector.broadcast %add3A_198 : i32 to vector<16xi32>
        %add3A_200 = arith.addi %iota3A, %add3A_199 : vector<16xi32>
        %gather3A_201 = tpu.vector_load_idx %arg6[%add3A_200, %and3A_191] : memref<128x128xf32, #tpu.memory_space<vmem>>[vector<16xi32>, vector<16xi32>], vector<16xf32>,
        %mul3A_202 = arith.constant 8.000000e+00 : f32
        %mul3A_203 = vector.broadcast %mul3A_202 : f32 to vector<16xf32>
        %mul3A_204 = arith.mulf %gather3A_201, %mul3A_203 : vector<16xf32>
        tpu.vector_store_idx %arg8[%shift_right_logical3A_194, %and3A_197, %add3A_200], %mul3A_204 : memref<8x8x128xf32, #tpu.memory_space<vmem>>[vector<16xi32>, vector<16xi32>, vector<16xi32>], vector<16xf32>,
        %add3A_205 = arith.constant 16 : i32
        %add3A_206 = vector.broadcast %add3A_205 : i32 to vector<16xi32>
        %add3A_207 = arith.addi %iota3A, %add3A_206 : vector<16xi32>
        %gather3A_208 = tpu.vector_load_idx %arg6[%add3A_207, %and3A_191] : memref<128x128xf32, #tpu.memory_space<vmem>>[vector<16xi32>, vector<16xi32>], vector<16xf32>,
        %mul3A_209 = arith.constant 8.000000e+00 : f32
        %mul3A_210 = vector.broadcast %mul3A_209 : f32 to vector<16xf32>
        %mul3A_211 = arith.mulf %gather3A_208, %mul3A_210 : vector<16xf32>
        tpu.vector_store_idx %arg8[%shift_right_logical3A_194, %and3A_197, %add3A_207], %mul3A_211 : memref<8x8x128xf32, #tpu.memory_space<vmem>>[vector<16xi32>, vector<16xi32>, vector<16xi32>], vector<16xf32>,
        %add3A_212 = arith.constant 32 : i32
        %add3A_213 = vector.broadcast %add3A_212 : i32 to vector<16xi32>
        %add3A_214 = arith.addi %iota3A, %add3A_213 : vector<16xi32>
        %gather3A_215 = tpu.vector_load_idx %arg6[%add3A_214, %and3A_191] : memref<128x128xf32, #tpu.memory_space<vmem>>[vector<16xi32>, vector<16xi32>], vector<16xf32>,
        %mul3A_216 = arith.constant 8.000000e+00 : f32
        %mul3A_217 = vector.broadcast %mul3A_216 : f32 to vector<16xf32>
        %mul3A_218 = arith.mulf %gather3A_215, %mul3A_217 : vector<16xf32>
        tpu.vector_store_idx %arg8[%shift_right_logical3A_194, %and3A_197, %add3A_214], %mul3A_218 : memref<8x8x128xf32, #tpu.memory_space<vmem>>[vector<16xi32>, vector<16xi32>, vector<16xi32>], vector<16xf32>,
        %add3A_219 = arith.constant 48 : i32
        %add3A_220 = vector.broadcast %add3A_219 : i32 to vector<16xi32>
        %add3A_221 = arith.addi %iota3A, %add3A_220 : vector<16xi32>
        %gather3A_222 = tpu.vector_load_idx %arg6[%add3A_221, %and3A_191] : memref<128x128xf32, #tpu.memory_space<vmem>>[vector<16xi32>, vector<16xi32>], vector<16xf32>,
        %mul3A_223 = arith.constant 8.000000e+00 : f32
        %mul3A_224 = vector.broadcast %mul3A_223 : f32 to vector<16xf32>
        %mul3A_225 = arith.mulf %gather3A_222, %mul3A_224 : vector<16xf32>
        tpu.vector_store_idx %arg8[%shift_right_logical3A_194, %and3A_197, %add3A_221], %mul3A_225 : memref<8x8x128xf32, #tpu.memory_space<vmem>>[vector<16xi32>, vector<16xi32>, vector<16xi32>], vector<16xf32>,
        %add3A_226 = arith.constant 64 : i32
        %add3A_227 = vector.broadcast %add3A_226 : i32 to vector<16xi32>
        %add3A_228 = arith.addi %iota3A, %add3A_227 : vector<16xi32>
        %gather3A_229 = tpu.vector_load_idx %arg6[%add3A_228, %and3A_191] : memref<128x128xf32, #tpu.memory_space<vmem>>[vector<16xi32>, vector<16xi32>], vector<16xf32>,
        %mul3A_230 = arith.constant 8.000000e+00 : f32
        %mul3A_231 = vector.broadcast %mul3A_230 : f32 to vector<16xf32>
        %mul3A_232 = arith.mulf %gather3A_229, %mul3A_231 : vector<16xf32>
        tpu.vector_store_idx %arg8[%shift_right_logical3A_194, %and3A_197, %add3A_228], %mul3A_232 : memref<8x8x128xf32, #tpu.memory_space<vmem>>[vector<16xi32>, vector<16xi32>, vector<16xi32>], vector<16xf32>,
        %add3A_233 = arith.constant 80 : i32
        %add3A_234 = vector.broadcast %add3A_233 : i32 to vector<16xi32>
        %add3A_235 = arith.addi %iota3A, %add3A_234 : vector<16xi32>
        %gather3A_236 = tpu.vector_load_idx %arg6[%add3A_235, %and3A_191] : memref<128x128xf32, #tpu.memory_space<vmem>>[vector<16xi32>, vector<16xi32>], vector<16xf32>,
        %mul3A_237 = arith.constant 8.000000e+00 : f32
        %mul3A_238 = vector.broadcast %mul3A_237 : f32 to vector<16xf32>
        %mul3A_239 = arith.mulf %gather3A_236, %mul3A_238 : vector<16xf32>
        tpu.vector_store_idx %arg8[%shift_right_logical3A_194, %and3A_197, %add3A_235], %mul3A_239 : memref<8x8x128xf32, #tpu.memory_space<vmem>>[vector<16xi32>, vector<16xi32>, vector<16xi32>], vector<16xf32>,
        %add3A_240 = arith.constant 96 : i32
        %add3A_241 = vector.broadcast %add3A_240 : i32 to vector<16xi32>
        %add3A_242 = arith.addi %iota3A, %add3A_241 : vector<16xi32>
        %gather3A_243 = tpu.vector_load_idx %arg6[%add3A_242, %and3A_191] : memref<128x128xf32, #tpu.memory_space<vmem>>[vector<16xi32>, vector<16xi32>], vector<16xf32>,
        %mul3A_244 = arith.constant 8.000000e+00 : f32
        %mul3A_245 = vector.broadcast %mul3A_244 : f32 to vector<16xf32>
        %mul3A_246 = arith.mulf %gather3A_243, %mul3A_245 : vector<16xf32>
        tpu.vector_store_idx %arg8[%shift_right_logical3A_194, %and3A_197, %add3A_242], %mul3A_246 : memref<8x8x128xf32, #tpu.memory_space<vmem>>[vector<16xi32>, vector<16xi32>, vector<16xi32>], vector<16xf32>,
        %add3A_247 = arith.constant 112 : i32
        %add3A_248 = vector.broadcast %add3A_247 : i32 to vector<16xi32>
        %add3A_249 = arith.addi %iota3A, %add3A_248 : vector<16xi32>
        %gather3A_250 = tpu.vector_load_idx %arg6[%add3A_249, %and3A_191] : memref<128x128xf32, #tpu.memory_space<vmem>>[vector<16xi32>, vector<16xi32>], vector<16xf32>,
        %mul3A_251 = arith.constant 8.000000e+00 : f32
        %mul3A_252 = vector.broadcast %mul3A_251 : f32 to vector<16xf32>
        %mul3A_253 = arith.mulf %gather3A_250, %mul3A_252 : vector<16xf32>
        tpu.vector_store_idx %arg8[%shift_right_logical3A_194, %and3A_197, %add3A_249], %mul3A_253 : memref<8x8x128xf32, #tpu.memory_space<vmem>>[vector<16xi32>, vector<16xi32>, vector<16xi32>], vector<16xf32>,
        %scan3A_254 = arith.constant 2 : i32
        %scan3A_255 = arith.addi %scan3A_119, %scan3A_254 : i32
        %add3A_256 = vector.broadcast %scan3A_255 : i32 to vector<16xi32>
        %add3A_257 = arith.addi %iota3A, %add3A_256 : vector<16xi32>
        %and3A_258 = arith.constant 63 : i32
        %and3A_259 = vector.broadcast %and3A_258 : i32 to vector<16xi32>
        %and3A_260 = arith.andi %add3A_257, %and3A_259 : vector<16xi32>
        %shift_right_logical3A_261 = arith.constant 3 : i32
        %shift_right_logical3A_262 = vector.broadcast %shift_right_logical3A_261 : i32 to vector<16xi32>
        %shift_right_logical3A_263 = arith.shrui %and3A_260, %shift_right_logical3A_262 : vector<16xi32>
        %and3A_264 = arith.constant 7 : i32
        %and3A_265 = vector.broadcast %and3A_264 : i32 to vector<16xi32>
        %and3A_266 = arith.andi %and3A_260, %and3A_265 : vector<16xi32>
        %add3A_267 = arith.constant 0 : i32
        %add3A_268 = vector.broadcast %add3A_267 : i32 to vector<16xi32>
        %add3A_269 = arith.addi %iota3A, %add3A_268 : vector<16xi32>
        %gather3A_270 = tpu.vector_load_idx %arg6[%add3A_269, %and3A_260] : memref<128x128xf32, #tpu.memory_space<vmem>>[vector<16xi32>, vector<16xi32>], vector<16xf32>,
        %mul3A_271 = arith.constant 8.000000e+00 : f32
        %mul3A_272 = vector.broadcast %mul3A_271 : f32 to vector<16xf32>
        %mul3A_273 = arith.mulf %gather3A_270, %mul3A_272 : vector<16xf32>
        tpu.vector_store_idx %arg8[%shift_right_logical3A_263, %and3A_266, %add3A_269], %mul3A_273 : memref<8x8x128xf32, #tpu.memory_space<vmem>>[vector<16xi32>, vector<16xi32>, vector<16xi32>], vector<16xf32>,
        %add3A_274 = arith.constant 16 : i32
        %add3A_275 = vector.broadcast %add3A_274 : i32 to vector<16xi32>
        %add3A_276 = arith.addi %iota3A, %add3A_275 : vector<16xi32>
        %gather3A_277 = tpu.vector_load_idx %arg6[%add3A_276, %and3A_260] : memref<128x128xf32, #tpu.memory_space<vmem>>[vector<16xi32>, vector<16xi32>], vector<16xf32>,
        %mul3A_278 = arith.constant 8.000000e+00 : f32
        %mul3A_279 = vector.broadcast %mul3A_278 : f32 to vector<16xf32>
        %mul3A_280 = arith.mulf %gather3A_277, %mul3A_279 : vector<16xf32>
        tpu.vector_store_idx %arg8[%shift_right_logical3A_263, %and3A_266, %add3A_276], %mul3A_280 : memref<8x8x128xf32, #tpu.memory_space<vmem>>[vector<16xi32>, vector<16xi32>, vector<16xi32>], vector<16xf32>,
        %add3A_281 = arith.constant 32 : i32
        %add3A_282 = vector.broadcast %add3A_281 : i32 to vector<16xi32>
        %add3A_283 = arith.addi %iota3A, %add3A_282 : vector<16xi32>
        %gather3A_284 = tpu.vector_load_idx %arg6[%add3A_283, %and3A_260] : memref<128x128xf32, #tpu.memory_space<vmem>>[vector<16xi32>, vector<16xi32>], vector<16xf32>,
        %mul3A_285 = arith.constant 8.000000e+00 : f32
        %mul3A_286 = vector.broadcast %mul3A_285 : f32 to vector<16xf32>
        %mul3A_287 = arith.mulf %gather3A_284, %mul3A_286 : vector<16xf32>
        tpu.vector_store_idx %arg8[%shift_right_logical3A_263, %and3A_266, %add3A_283], %mul3A_287 : memref<8x8x128xf32, #tpu.memory_space<vmem>>[vector<16xi32>, vector<16xi32>, vector<16xi32>], vector<16xf32>,
        %add3A_288 = arith.constant 48 : i32
        %add3A_289 = vector.broadcast %add3A_288 : i32 to vector<16xi32>
        %add3A_290 = arith.addi %iota3A, %add3A_289 : vector<16xi32>
        %gather3A_291 = tpu.vector_load_idx %arg6[%add3A_290, %and3A_260] : memref<128x128xf32, #tpu.memory_space<vmem>>[vector<16xi32>, vector<16xi32>], vector<16xf32>,
        %mul3A_292 = arith.constant 8.000000e+00 : f32
        %mul3A_293 = vector.broadcast %mul3A_292 : f32 to vector<16xf32>
        %mul3A_294 = arith.mulf %gather3A_291, %mul3A_293 : vector<16xf32>
        tpu.vector_store_idx %arg8[%shift_right_logical3A_263, %and3A_266, %add3A_290], %mul3A_294 : memref<8x8x128xf32, #tpu.memory_space<vmem>>[vector<16xi32>, vector<16xi32>, vector<16xi32>], vector<16xf32>,
        %add3A_295 = arith.constant 64 : i32
        %add3A_296 = vector.broadcast %add3A_295 : i32 to vector<16xi32>
        %add3A_297 = arith.addi %iota3A, %add3A_296 : vector<16xi32>
        %gather3A_298 = tpu.vector_load_idx %arg6[%add3A_297, %and3A_260] : memref<128x128xf32, #tpu.memory_space<vmem>>[vector<16xi32>, vector<16xi32>], vector<16xf32>,
        %mul3A_299 = arith.constant 8.000000e+00 : f32
        %mul3A_300 = vector.broadcast %mul3A_299 : f32 to vector<16xf32>
        %mul3A_301 = arith.mulf %gather3A_298, %mul3A_300 : vector<16xf32>
        tpu.vector_store_idx %arg8[%shift_right_logical3A_263, %and3A_266, %add3A_297], %mul3A_301 : memref<8x8x128xf32, #tpu.memory_space<vmem>>[vector<16xi32>, vector<16xi32>, vector<16xi32>], vector<16xf32>,
        %add3A_302 = arith.constant 80 : i32
        %add3A_303 = vector.broadcast %add3A_302 : i32 to vector<16xi32>
        %add3A_304 = arith.addi %iota3A, %add3A_303 : vector<16xi32>
        %gather3A_305 = tpu.vector_load_idx %arg6[%add3A_304, %and3A_260] : memref<128x128xf32, #tpu.memory_space<vmem>>[vector<16xi32>, vector<16xi32>], vector<16xf32>,
        %mul3A_306 = arith.constant 8.000000e+00 : f32
        %mul3A_307 = vector.broadcast %mul3A_306 : f32 to vector<16xf32>
        %mul3A_308 = arith.mulf %gather3A_305, %mul3A_307 : vector<16xf32>
        tpu.vector_store_idx %arg8[%shift_right_logical3A_263, %and3A_266, %add3A_304], %mul3A_308 : memref<8x8x128xf32, #tpu.memory_space<vmem>>[vector<16xi32>, vector<16xi32>, vector<16xi32>], vector<16xf32>,
        %add3A_309 = arith.constant 96 : i32
        %add3A_310 = vector.broadcast %add3A_309 : i32 to vector<16xi32>
        %add3A_311 = arith.addi %iota3A, %add3A_310 : vector<16xi32>
        %gather3A_312 = tpu.vector_load_idx %arg6[%add3A_311, %and3A_260] : memref<128x128xf32, #tpu.memory_space<vmem>>[vector<16xi32>, vector<16xi32>], vector<16xf32>,
        %mul3A_313 = arith.constant 8.000000e+00 : f32
        %mul3A_314 = vector.broadcast %mul3A_313 : f32 to vector<16xf32>
        %mul3A_315 = arith.mulf %gather3A_312, %mul3A_314 : vector<16xf32>
        tpu.vector_store_idx %arg8[%shift_right_logical3A_263, %and3A_266, %add3A_311], %mul3A_315 : memref<8x8x128xf32, #tpu.memory_space<vmem>>[vector<16xi32>, vector<16xi32>, vector<16xi32>], vector<16xf32>,
        %add3A_316 = arith.constant 112 : i32
        %add3A_317 = vector.broadcast %add3A_316 : i32 to vector<16xi32>
        %add3A_318 = arith.addi %iota3A, %add3A_317 : vector<16xi32>
        %gather3A_319 = tpu.vector_load_idx %arg6[%add3A_318, %and3A_260] : memref<128x128xf32, #tpu.memory_space<vmem>>[vector<16xi32>, vector<16xi32>], vector<16xf32>,
        %mul3A_320 = arith.constant 8.000000e+00 : f32
        %mul3A_321 = vector.broadcast %mul3A_320 : f32 to vector<16xf32>
        %mul3A_322 = arith.mulf %gather3A_319, %mul3A_321 : vector<16xf32>
        tpu.vector_store_idx %arg8[%shift_right_logical3A_263, %and3A_266, %add3A_318], %mul3A_322 : memref<8x8x128xf32, #tpu.memory_space<vmem>>[vector<16xi32>, vector<16xi32>, vector<16xi32>], vector<16xf32>,
        %scan3A_323 = arith.constant 3 : i32
        %scan3A_324 = arith.addi %scan3A_119, %scan3A_323 : i32
        %add3A_325 = vector.broadcast %scan3A_324 : i32 to vector<16xi32>
        %add3A_326 = arith.addi %iota3A, %add3A_325 : vector<16xi32>
        %and3A_327 = arith.constant 63 : i32
        %and3A_328 = vector.broadcast %and3A_327 : i32 to vector<16xi32>
        %and3A_329 = arith.andi %add3A_326, %and3A_328 : vector<16xi32>
        %shift_right_logical3A_330 = arith.constant 3 : i32
        %shift_right_logical3A_331 = vector.broadcast %shift_right_logical3A_330 : i32 to vector<16xi32>
        %shift_right_logical3A_332 = arith.shrui %and3A_329, %shift_right_logical3A_331 : vector<16xi32>
        %and3A_333 = arith.constant 7 : i32
        %and3A_334 = vector.broadcast %and3A_333 : i32 to vector<16xi32>
        %and3A_335 = arith.andi %and3A_329, %and3A_334 : vector<16xi32>
        %add3A_336 = arith.constant 0 : i32
        %add3A_337 = vector.broadcast %add3A_336 : i32 to vector<16xi32>
        %add3A_338 = arith.addi %iota3A, %add3A_337 : vector<16xi32>
        %gather3A_339 = tpu.vector_load_idx %arg6[%add3A_338, %and3A_329] : memref<128x128xf32, #tpu.memory_space<vmem>>[vector<16xi32>, vector<16xi32>], vector<16xf32>,
        %mul3A_340 = arith.constant 8.000000e+00 : f32
        %mul3A_341 = vector.broadcast %mul3A_340 : f32 to vector<16xf32>
        %mul3A_342 = arith.mulf %gather3A_339, %mul3A_341 : vector<16xf32>
        tpu.vector_store_idx %arg8[%shift_right_logical3A_332, %and3A_335, %add3A_338], %mul3A_342 : memref<8x8x128xf32, #tpu.memory_space<vmem>>[vector<16xi32>, vector<16xi32>, vector<16xi32>], vector<16xf32>,
        %add3A_343 = arith.constant 16 : i32
        %add3A_344 = vector.broadcast %add3A_343 : i32 to vector<16xi32>
        %add3A_345 = arith.addi %iota3A, %add3A_344 : vector<16xi32>
        %gather3A_346 = tpu.vector_load_idx %arg6[%add3A_345, %and3A_329] : memref<128x128xf32, #tpu.memory_space<vmem>>[vector<16xi32>, vector<16xi32>], vector<16xf32>,
        %mul3A_347 = arith.constant 8.000000e+00 : f32
        %mul3A_348 = vector.broadcast %mul3A_347 : f32 to vector<16xf32>
        %mul3A_349 = arith.mulf %gather3A_346, %mul3A_348 : vector<16xf32>
        tpu.vector_store_idx %arg8[%shift_right_logical3A_332, %and3A_335, %add3A_345], %mul3A_349 : memref<8x8x128xf32, #tpu.memory_space<vmem>>[vector<16xi32>, vector<16xi32>, vector<16xi32>], vector<16xf32>,
        %add3A_350 = arith.constant 32 : i32
        %add3A_351 = vector.broadcast %add3A_350 : i32 to vector<16xi32>
        %add3A_352 = arith.addi %iota3A, %add3A_351 : vector<16xi32>
        %gather3A_353 = tpu.vector_load_idx %arg6[%add3A_352, %and3A_329] : memref<128x128xf32, #tpu.memory_space<vmem>>[vector<16xi32>, vector<16xi32>], vector<16xf32>,
        %mul3A_354 = arith.constant 8.000000e+00 : f32
        %mul3A_355 = vector.broadcast %mul3A_354 : f32 to vector<16xf32>
        %mul3A_356 = arith.mulf %gather3A_353, %mul3A_355 : vector<16xf32>
        tpu.vector_store_idx %arg8[%shift_right_logical3A_332, %and3A_335, %add3A_352], %mul3A_356 : memref<8x8x128xf32, #tpu.memory_space<vmem>>[vector<16xi32>, vector<16xi32>, vector<16xi32>], vector<16xf32>,
        %add3A_357 = arith.constant 48 : i32
        %add3A_358 = vector.broadcast %add3A_357 : i32 to vector<16xi32>
        %add3A_359 = arith.addi %iota3A, %add3A_358 : vector<16xi32>
        %gather3A_360 = tpu.vector_load_idx %arg6[%add3A_359, %and3A_329] : memref<128x128xf32, #tpu.memory_space<vmem>>[vector<16xi32>, vector<16xi32>], vector<16xf32>,
        %mul3A_361 = arith.constant 8.000000e+00 : f32
        %mul3A_362 = vector.broadcast %mul3A_361 : f32 to vector<16xf32>
        %mul3A_363 = arith.mulf %gather3A_360, %mul3A_362 : vector<16xf32>
        tpu.vector_store_idx %arg8[%shift_right_logical3A_332, %and3A_335, %add3A_359], %mul3A_363 : memref<8x8x128xf32, #tpu.memory_space<vmem>>[vector<16xi32>, vector<16xi32>, vector<16xi32>], vector<16xf32>,
        %add3A_364 = arith.constant 64 : i32
        %add3A_365 = vector.broadcast %add3A_364 : i32 to vector<16xi32>
        %add3A_366 = arith.addi %iota3A, %add3A_365 : vector<16xi32>
        %gather3A_367 = tpu.vector_load_idx %arg6[%add3A_366, %and3A_329] : memref<128x128xf32, #tpu.memory_space<vmem>>[vector<16xi32>, vector<16xi32>], vector<16xf32>,
        %mul3A_368 = arith.constant 8.000000e+00 : f32
        %mul3A_369 = vector.broadcast %mul3A_368 : f32 to vector<16xf32>
        %mul3A_370 = arith.mulf %gather3A_367, %mul3A_369 : vector<16xf32>
        tpu.vector_store_idx %arg8[%shift_right_logical3A_332, %and3A_335, %add3A_366], %mul3A_370 : memref<8x8x128xf32, #tpu.memory_space<vmem>>[vector<16xi32>, vector<16xi32>, vector<16xi32>], vector<16xf32>,
        %add3A_371 = arith.constant 80 : i32
        %add3A_372 = vector.broadcast %add3A_371 : i32 to vector<16xi32>
        %add3A_373 = arith.addi %iota3A, %add3A_372 : vector<16xi32>
        %gather3A_374 = tpu.vector_load_idx %arg6[%add3A_373, %and3A_329] : memref<128x128xf32, #tpu.memory_space<vmem>>[vector<16xi32>, vector<16xi32>], vector<16xf32>,
        %mul3A_375 = arith.constant 8.000000e+00 : f32
        %mul3A_376 = vector.broadcast %mul3A_375 : f32 to vector<16xf32>
        %mul3A_377 = arith.mulf %gather3A_374, %mul3A_376 : vector<16xf32>
        tpu.vector_store_idx %arg8[%shift_right_logical3A_332, %and3A_335, %add3A_373], %mul3A_377 : memref<8x8x128xf32, #tpu.memory_space<vmem>>[vector<16xi32>, vector<16xi32>, vector<16xi32>], vector<16xf32>,
        %add3A_378 = arith.constant 96 : i32
        %add3A_379 = vector.broadcast %add3A_378 : i32 to vector<16xi32>
        %add3A_380 = arith.addi %iota3A, %add3A_379 : vector<16xi32>
        %gather3A_381 = tpu.vector_load_idx %arg6[%add3A_380, %and3A_329] : memref<128x128xf32, #tpu.memory_space<vmem>>[vector<16xi32>, vector<16xi32>], vector<16xf32>,
        %mul3A_382 = arith.constant 8.000000e+00 : f32
        %mul3A_383 = vector.broadcast %mul3A_382 : f32 to vector<16xf32>
        %mul3A_384 = arith.mulf %gather3A_381, %mul3A_383 : vector<16xf32>
        tpu.vector_store_idx %arg8[%shift_right_logical3A_332, %and3A_335, %add3A_380], %mul3A_384 : memref<8x8x128xf32, #tpu.memory_space<vmem>>[vector<16xi32>, vector<16xi32>, vector<16xi32>], vector<16xf32>,
        %add3A_385 = arith.constant 112 : i32
        %add3A_386 = vector.broadcast %add3A_385 : i32 to vector<16xi32>
        %add3A_387 = arith.addi %iota3A, %add3A_386 : vector<16xi32>
        %gather3A_388 = tpu.vector_load_idx %arg6[%add3A_387, %and3A_329] : memref<128x128xf32, #tpu.memory_space<vmem>>[vector<16xi32>, vector<16xi32>], vector<16xf32>,
        %mul3A_389 = arith.constant 8.000000e+00 : f32
        %mul3A_390 = vector.broadcast %mul3A_389 : f32 to vector<16xf32>
        %mul3A_391 = arith.mulf %gather3A_388, %mul3A_390 : vector<16xf32>
        tpu.vector_store_idx %arg8[%shift_right_logical3A_332, %and3A_335, %add3A_387], %mul3A_391 : memref<8x8x128xf32, #tpu.memory_space<vmem>>[vector<16xi32>, vector<16xi32>, vector<16xi32>], vector<16xf32>,
      }
      %scan3A_64 = arith.constant 64 : i32
      %dma_start3A_65 = arith.constant 0 : i32
      %dma_start3A_66 = arith.constant 0 : i32
      %dma_start3A_67 = arith.constant 0 : i32
      %dma_start3A_68 = tpu.memref_slice %arg4[%add3A_39, %dma_start3A_65, %add3A, %dma_start3A_66, %dma_start3A_67] : memref<200x8x32x8x128xf32, #tpu.memory_space<hbm>> -> memref<1x8x1x8x128xf32, #tpu.memory_space<hbm>>
      %dma_start3A_69 = tpu.memref_squeeze %dma_start3A_68 : memref<1x8x1x8x128xf32, #tpu.memory_space<hbm>> -> memref<8x8x128xf32, #tpu.memory_space<hbm>>
      %dma_start3A_70 = arith.constant 0 : i32
      %dma_start3A_71 = arith.constant 0 : i32
      %dma_start3A_72 = arith.constant 0 : i32
      %dma_start3A_73 = tpu.memref_slice %arg4[%add3A_39, %dma_start3A_70, %add3A, %dma_start3A_71, %dma_start3A_72] : memref<200x8x32x8x128xf32, #tpu.memory_space<hbm>> -> memref<1x8x1x8x128xf32, #tpu.memory_space<hbm>>
      %dma_start3A_74 = tpu.memref_squeeze %dma_start3A_73 : memref<1x8x1x8x128xf32, #tpu.memory_space<hbm>> -> memref<8x8x128xf32, #tpu.memory_space<hbm>>
      tpu.enqueue_dma source(%arg8 : memref<8x8x128xf32, #tpu.memory_space<vmem>>) target(%dma_start3A_74 : memref<8x8x128xf32, #tpu.memory_space<hbm>>) target_semaphore(%arg12 : memref<!tpu.dma_semaphore, #tpu.memory_space<semaphore_mem>>)
      %mul3A_75 = arith.constant 2 : i32
      %mul3A_76 = arith.muli %scan3A_35, %mul3A_75 : i32
      %add3A_77 = arith.constant 1 : i32
      %add3A_78 = arith.addi %mul3A_76, %add3A_77 : i32
      %ge3A_79 = arith.constant 1 : i32
      %ge3A_80 = arith.cmpi sge, %add3A_78, %ge3A_79 : i32
      %add3A_81 = arith.constant 1 : i32
      %add3A_82 = arith.addi %add3A_78, %add3A_81 : i32
      %lt3A_83 = arith.constant 200 : i32
      %lt3A_84 = arith.cmpi slt, %add3A_82, %lt3A_83 : i32
      %and3A_85 = arith.andi %ge3A_80, %lt3A_84 : i1
      %convert_element_type3A_86 = arith.extui %and3A_85 : i1 to i32
      %cond3A_87 = arith.constant 0 : i32
      %cond3A_88 = arith.cmpi ne, %convert_element_type3A_86, %cond3A_87 : i32
      scf.if %cond3A_88 {
        %dma_wait3A_119 = arith.constant 0 : i32
        %dma_wait3A_120 = arith.constant 0 : i32
        %dma_wait3A_121 = arith.constant 0 : i32
        %dma_wait3A_122 = arith.constant 0 : i32
        %dma_wait3A_123 = tpu.memref_slice %arg4[%dma_wait3A_119, %dma_wait3A_120, %add3A, %dma_wait3A_121, %dma_wait3A_122] : memref<200x8x32x8x128xf32, #tpu.memory_space<hbm>> -> memref<1x8x1x8x128xf32, #tpu.memory_space<hbm>>
        %dma_wait3A_124 = tpu.memref_squeeze %dma_wait3A_123 : memref<1x8x1x8x128xf32, #tpu.memory_space<hbm>> -> memref<8x8x128xf32, #tpu.memory_space<hbm>>
        %dma_wait3A_125 = arith.constant 0 : i32
        %dma_wait3A_126 = arith.constant 0 : i32
        %dma_wait3A_127 = arith.constant 0 : i32
        %dma_wait3A_128 = tpu.memref_slice %arg4[%dma_wait3A_119, %dma_wait3A_125, %add3A, %dma_wait3A_126, %dma_wait3A_127] : memref<200x8x32x8x128xf32, #tpu.memory_space<hbm>> -> memref<1x8x1x8x128xf32, #tpu.memory_space<hbm>>
        %dma_wait3A_129 = tpu.memref_squeeze %dma_wait3A_128 : memref<1x8x1x8x128xf32, #tpu.memory_space<hbm>> -> memref<8x8x128xf32, #tpu.memory_space<hbm>>
        tpu.wait_dma2 semaphore(%arg12 : memref<!tpu.dma_semaphore, #tpu.memory_space<semaphore_mem>>) src(%arg8 : memref<8x8x128xf32, #tpu.memory_space<vmem>>) dst(%dma_wait3A_129 : memref<8x8x128xf32, #tpu.memory_space<hbm>>)
      } else {
      }
      %add3A_89 = arith.constant 1 : i32
      %add3A_90 = arith.addi %add3A_78, %add3A_89 : i32
      %lt3A_91 = arith.constant 200 : i32
      %lt3A_92 = arith.cmpi slt, %add3A_90, %lt3A_91 : i32
      %convert_element_type3A_93 = arith.extui %lt3A_92 : i1 to i32
      %cond3A_94 = arith.constant 0 : i32
      %cond3A_95 = arith.cmpi ne, %convert_element_type3A_93, %cond3A_94 : i32
      scf.if %cond3A_95 {
        %add3A_119 = arith.constant 1 : i32
        %add3A_120 = arith.addi %add3A_78, %add3A_119 : i32
        %dma_start3A_121 = arith.constant 0 : i32
        %dma_start3A_122 = tpu.memref_slice %arg5[%add3A_120, %dma_start3A_121] : memref<200x128xi32, #tpu.memory_space<vmem>> -> memref<1x128xi32, #tpu.memory_space<vmem>>
        %dma_start3A_123 = tpu.memref_squeeze %dma_start3A_122 : memref<1x128xi32, #tpu.memory_space<vmem>> -> memref<128xi32, #tpu.memory_space<vmem>>
        %dma_start3A_124 = arith.constant 0 : i32
        %dma_start3A_125 = arith.constant 0 : i32
        %dma_start3A_126 = tpu.memref_slice %arg3[%dma_start3A_124, %dma_start3A_125] : memref<1000000x128xf32, #tpu.memory_space<hbm>> -> memref<1000000x128xf32, #tpu.memory_space<hbm>>
        tpu.enqueue_indirect_dma source(%dma_start3A_126 : memref<1000000x128xf32, #tpu.memory_space<hbm>>) target(%arg6 : memref<128x128xf32, #tpu.memory_space<vmem>>) offsets(%dma_start3A_123 : memref<128xi32, #tpu.memory_space<vmem>>) semaphore(%arg10 : memref<!tpu.dma_semaphore, #tpu.memory_space<semaphore_mem>>)
      } else {
      }
      %dma_wait3A_96 = arith.constant 0 : i32
      %dma_wait3A_97 = arith.constant 0 : i32
      %dma_wait3A_98 = tpu.memref_slice %arg5[%dma_wait3A_96, %dma_wait3A_97] : memref<200x128xi32, #tpu.memory_space<vmem>> -> memref<1x128xi32, #tpu.memory_space<vmem>>
      %dma_wait3A_99 = tpu.memref_squeeze %dma_wait3A_98 : memref<1x128xi32, #tpu.memory_space<vmem>> -> memref<128xi32, #tpu.memory_space<vmem>>
      %dma_wait3A_100 = arith.constant 0 : i32
      %dma_wait3A_101 = arith.constant 0 : i32
      %dma_wait3A_102 = tpu.memref_slice %arg3[%dma_wait3A_100, %dma_wait3A_101] : memref<1000000x128xf32, #tpu.memory_space<hbm>> -> memref<1000000x128xf32, #tpu.memory_space<hbm>>
      tpu.wait_indirect_dma semaphore(%arg11 : memref<!tpu.dma_semaphore, #tpu.memory_space<semaphore_mem>>) src(%dma_wait3A_102 : memref<1000000x128xf32, #tpu.memory_space<hbm>>) dst(%arg7 : memref<128x128xf32, #tpu.memory_space<vmem>>)
      %scan3A_103 = arith.constant 0 : i32
      %scan3A_104 = arith.constant 0 : i32
      %scan3A_105 = arith.constant 64 : i32
      %scan3A_106 = arith.addi %scan3A_104, %scan3A_105 : i32
      %scan3A_107 = arith.constant 4 : i32
      scf.for %scan3A_119 = %scan3A_104 to %scan3A_106 step %scan3A_107  : i32 {
        %add3A_120 = vector.broadcast %scan3A_119 : i32 to vector<16xi32>
        %add3A_121 = arith.addi %iota3A, %add3A_120 : vector<16xi32>
        %and3A_122 = arith.constant 63 : i32
        %and3A_123 = vector.broadcast %and3A_122 : i32 to vector<16xi32>
        %and3A_124 = arith.andi %add3A_121, %and3A_123 : vector<16xi32>
        %shift_right_logical3A = arith.constant 3 : i32
        %shift_right_logical3A_125 = vector.broadcast %shift_right_logical3A : i32 to vector<16xi32>
        %shift_right_logical3A_126 = arith.shrui %and3A_124, %shift_right_logical3A_125 : vector<16xi32>
        %and3A_127 = arith.constant 7 : i32
        %and3A_128 = vector.broadcast %and3A_127 : i32 to vector<16xi32>
        %and3A_129 = arith.andi %and3A_124, %and3A_128 : vector<16xi32>
        %add3A_130 = arith.constant 0 : i32
        %add3A_131 = vector.broadcast %add3A_130 : i32 to vector<16xi32>
        %add3A_132 = arith.addi %iota3A, %add3A_131 : vector<16xi32>
        %gather3A = tpu.vector_load_idx %arg7[%add3A_132, %and3A_124] : memref<128x128xf32, #tpu.memory_space<vmem>>[vector<16xi32>, vector<16xi32>], vector<16xf32>,
        %mul3A_133 = arith.constant 8.000000e+00 : f32
        %mul3A_134 = vector.broadcast %mul3A_133 : f32 to vector<16xf32>
        %mul3A_135 = arith.mulf %gather3A, %mul3A_134 : vector<16xf32>
        tpu.vector_store_idx %arg9[%shift_right_logical3A_126, %and3A_129, %add3A_132], %mul3A_135 : memref<8x8x128xf32, #tpu.memory_space<vmem>>[vector<16xi32>, vector<16xi32>, vector<16xi32>], vector<16xf32>,
        %add3A_136 = arith.constant 16 : i32
        %add3A_137 = vector.broadcast %add3A_136 : i32 to vector<16xi32>
        %add3A_138 = arith.addi %iota3A, %add3A_137 : vector<16xi32>
        %gather3A_139 = tpu.vector_load_idx %arg7[%add3A_138, %and3A_124] : memref<128x128xf32, #tpu.memory_space<vmem>>[vector<16xi32>, vector<16xi32>], vector<16xf32>,
        %mul3A_140 = arith.constant 8.000000e+00 : f32
        %mul3A_141 = vector.broadcast %mul3A_140 : f32 to vector<16xf32>
        %mul3A_142 = arith.mulf %gather3A_139, %mul3A_141 : vector<16xf32>
        tpu.vector_store_idx %arg9[%shift_right_logical3A_126, %and3A_129, %add3A_138], %mul3A_142 : memref<8x8x128xf32, #tpu.memory_space<vmem>>[vector<16xi32>, vector<16xi32>, vector<16xi32>], vector<16xf32>,
        %add3A_143 = arith.constant 32 : i32
        %add3A_144 = vector.broadcast %add3A_143 : i32 to vector<16xi32>
        %add3A_145 = arith.addi %iota3A, %add3A_144 : vector<16xi32>
        %gather3A_146 = tpu.vector_load_idx %arg7[%add3A_145, %and3A_124] : memref<128x128xf32, #tpu.memory_space<vmem>>[vector<16xi32>, vector<16xi32>], vector<16xf32>,
        %mul3A_147 = arith.constant 8.000000e+00 : f32
        %mul3A_148 = vector.broadcast %mul3A_147 : f32 to vector<16xf32>
        %mul3A_149 = arith.mulf %gather3A_146, %mul3A_148 : vector<16xf32>
        tpu.vector_store_idx %arg9[%shift_right_logical3A_126, %and3A_129, %add3A_145], %mul3A_149 : memref<8x8x128xf32, #tpu.memory_space<vmem>>[vector<16xi32>, vector<16xi32>, vector<16xi32>], vector<16xf32>,
        %add3A_150 = arith.constant 48 : i32
        %add3A_151 = vector.broadcast %add3A_150 : i32 to vector<16xi32>
        %add3A_152 = arith.addi %iota3A, %add3A_151 : vector<16xi32>
        %gather3A_153 = tpu.vector_load_idx %arg7[%add3A_152, %and3A_124] : memref<128x128xf32, #tpu.memory_space<vmem>>[vector<16xi32>, vector<16xi32>], vector<16xf32>,
        %mul3A_154 = arith.constant 8.000000e+00 : f32
        %mul3A_155 = vector.broadcast %mul3A_154 : f32 to vector<16xf32>
        %mul3A_156 = arith.mulf %gather3A_153, %mul3A_155 : vector<16xf32>
        tpu.vector_store_idx %arg9[%shift_right_logical3A_126, %and3A_129, %add3A_152], %mul3A_156 : memref<8x8x128xf32, #tpu.memory_space<vmem>>[vector<16xi32>, vector<16xi32>, vector<16xi32>], vector<16xf32>,
        %add3A_157 = arith.constant 64 : i32
        %add3A_158 = vector.broadcast %add3A_157 : i32 to vector<16xi32>
        %add3A_159 = arith.addi %iota3A, %add3A_158 : vector<16xi32>
        %gather3A_160 = tpu.vector_load_idx %arg7[%add3A_159, %and3A_124] : memref<128x128xf32, #tpu.memory_space<vmem>>[vector<16xi32>, vector<16xi32>], vector<16xf32>,
        %mul3A_161 = arith.constant 8.000000e+00 : f32
        %mul3A_162 = vector.broadcast %mul3A_161 : f32 to vector<16xf32>
        %mul3A_163 = arith.mulf %gather3A_160, %mul3A_162 : vector<16xf32>
        tpu.vector_store_idx %arg9[%shift_right_logical3A_126, %and3A_129, %add3A_159], %mul3A_163 : memref<8x8x128xf32, #tpu.memory_space<vmem>>[vector<16xi32>, vector<16xi32>, vector<16xi32>], vector<16xf32>,
        %add3A_164 = arith.constant 80 : i32
        %add3A_165 = vector.broadcast %add3A_164 : i32 to vector<16xi32>
        %add3A_166 = arith.addi %iota3A, %add3A_165 : vector<16xi32>
        %gather3A_167 = tpu.vector_load_idx %arg7[%add3A_166, %and3A_124] : memref<128x128xf32, #tpu.memory_space<vmem>>[vector<16xi32>, vector<16xi32>], vector<16xf32>,
        %mul3A_168 = arith.constant 8.000000e+00 : f32
        %mul3A_169 = vector.broadcast %mul3A_168 : f32 to vector<16xf32>
        %mul3A_170 = arith.mulf %gather3A_167, %mul3A_169 : vector<16xf32>
        tpu.vector_store_idx %arg9[%shift_right_logical3A_126, %and3A_129, %add3A_166], %mul3A_170 : memref<8x8x128xf32, #tpu.memory_space<vmem>>[vector<16xi32>, vector<16xi32>, vector<16xi32>], vector<16xf32>,
        %add3A_171 = arith.constant 96 : i32
        %add3A_172 = vector.broadcast %add3A_171 : i32 to vector<16xi32>
        %add3A_173 = arith.addi %iota3A, %add3A_172 : vector<16xi32>
        %gather3A_174 = tpu.vector_load_idx %arg7[%add3A_173, %and3A_124] : memref<128x128xf32, #tpu.memory_space<vmem>>[vector<16xi32>, vector<16xi32>], vector<16xf32>,
        %mul3A_175 = arith.constant 8.000000e+00 : f32
        %mul3A_176 = vector.broadcast %mul3A_175 : f32 to vector<16xf32>
        %mul3A_177 = arith.mulf %gather3A_174, %mul3A_176 : vector<16xf32>
        tpu.vector_store_idx %arg9[%shift_right_logical3A_126, %and3A_129, %add3A_173], %mul3A_177 : memref<8x8x128xf32, #tpu.memory_space<vmem>>[vector<16xi32>, vector<16xi32>, vector<16xi32>], vector<16xf32>,
        %add3A_178 = arith.constant 112 : i32
        %add3A_179 = vector.broadcast %add3A_178 : i32 to vector<16xi32>
        %add3A_180 = arith.addi %iota3A, %add3A_179 : vector<16xi32>
        %gather3A_181 = tpu.vector_load_idx %arg7[%add3A_180, %and3A_124] : memref<128x128xf32, #tpu.memory_space<vmem>>[vector<16xi32>, vector<16xi32>], vector<16xf32>,
        %mul3A_182 = arith.constant 8.000000e+00 : f32
        %mul3A_183 = vector.broadcast %mul3A_182 : f32 to vector<16xf32>
        %mul3A_184 = arith.mulf %gather3A_181, %mul3A_183 : vector<16xf32>
        tpu.vector_store_idx %arg9[%shift_right_logical3A_126, %and3A_129, %add3A_180], %mul3A_184 : memref<8x8x128xf32, #tpu.memory_space<vmem>>[vector<16xi32>, vector<16xi32>, vector<16xi32>], vector<16xf32>,
        %scan3A_185 = arith.constant 1 : i32
        %scan3A_186 = arith.addi %scan3A_119, %scan3A_185 : i32
        %add3A_187 = vector.broadcast %scan3A_186 : i32 to vector<16xi32>
        %add3A_188 = arith.addi %iota3A, %add3A_187 : vector<16xi32>
        %and3A_189 = arith.constant 63 : i32
        %and3A_190 = vector.broadcast %and3A_189 : i32 to vector<16xi32>
        %and3A_191 = arith.andi %add3A_188, %and3A_190 : vector<16xi32>
        %shift_right_logical3A_192 = arith.constant 3 : i32
        %shift_right_logical3A_193 = vector.broadcast %shift_right_logical3A_192 : i32 to vector<16xi32>
        %shift_right_logical3A_194 = arith.shrui %and3A_191, %shift_right_logical3A_193 : vector<16xi32>
        %and3A_195 = arith.constant 7 : i32
        %and3A_196 = vector.broadcast %and3A_195 : i32 to vector<16xi32>
        %and3A_197 = arith.andi %and3A_191, %and3A_196 : vector<16xi32>
        %add3A_198 = arith.constant 0 : i32
        %add3A_199 = vector.broadcast %add3A_198 : i32 to vector<16xi32>
        %add3A_200 = arith.addi %iota3A, %add3A_199 : vector<16xi32>
        %gather3A_201 = tpu.vector_load_idx %arg7[%add3A_200, %and3A_191] : memref<128x128xf32, #tpu.memory_space<vmem>>[vector<16xi32>, vector<16xi32>], vector<16xf32>,
        %mul3A_202 = arith.constant 8.000000e+00 : f32
        %mul3A_203 = vector.broadcast %mul3A_202 : f32 to vector<16xf32>
        %mul3A_204 = arith.mulf %gather3A_201, %mul3A_203 : vector<16xf32>
        tpu.vector_store_idx %arg9[%shift_right_logical3A_194, %and3A_197, %add3A_200], %mul3A_204 : memref<8x8x128xf32, #tpu.memory_space<vmem>>[vector<16xi32>, vector<16xi32>, vector<16xi32>], vector<16xf32>,
        %add3A_205 = arith.constant 16 : i32
        %add3A_206 = vector.broadcast %add3A_205 : i32 to vector<16xi32>
        %add3A_207 = arith.addi %iota3A, %add3A_206 : vector<16xi32>
        %gather3A_208 = tpu.vector_load_idx %arg7[%add3A_207, %and3A_191] : memref<128x128xf32, #tpu.memory_space<vmem>>[vector<16xi32>, vector<16xi32>], vector<16xf32>,
        %mul3A_209 = arith.constant 8.000000e+00 : f32
        %mul3A_210 = vector.broadcast %mul3A_209 : f32 to vector<16xf32>
        %mul3A_211 = arith.mulf %gather3A_208, %mul3A_210 : vector<16xf32>
        tpu.vector_store_idx %arg9[%shift_right_logical3A_194, %and3A_197, %add3A_207], %mul3A_211 : memref<8x8x128xf32, #tpu.memory_space<vmem>>[vector<16xi32>, vector<16xi32>, vector<16xi32>], vector<16xf32>,
        %add3A_212 = arith.constant 32 : i32
        %add3A_213 = vector.broadcast %add3A_212 : i32 to vector<16xi32>
        %add3A_214 = arith.addi %iota3A, %add3A_213 : vector<16xi32>
        %gather3A_215 = tpu.vector_load_idx %arg7[%add3A_214, %and3A_191] : memref<128x128xf32, #tpu.memory_space<vmem>>[vector<16xi32>, vector<16xi32>], vector<16xf32>,
        %mul3A_216 = arith.constant 8.000000e+00 : f32
        %mul3A_217 = vector.broadcast %mul3A_216 : f32 to vector<16xf32>
        %mul3A_218 = arith.mulf %gather3A_215, %mul3A_217 : vector<16xf32>
        tpu.vector_store_idx %arg9[%shift_right_logical3A_194, %and3A_197, %add3A_214], %mul3A_218 : memref<8x8x128xf32, #tpu.memory_space<vmem>>[vector<16xi32>, vector<16xi32>, vector<16xi32>], vector<16xf32>,
        %add3A_219 = arith.constant 48 : i32
        %add3A_220 = vector.broadcast %add3A_219 : i32 to vector<16xi32>
        %add3A_221 = arith.addi %iota3A, %add3A_220 : vector<16xi32>
        %gather3A_222 = tpu.vector_load_idx %arg7[%add3A_221, %and3A_191] : memref<128x128xf32, #tpu.memory_space<vmem>>[vector<16xi32>, vector<16xi32>], vector<16xf32>,
        %mul3A_223 = arith.constant 8.000000e+00 : f32
        %mul3A_224 = vector.broadcast %mul3A_223 : f32 to vector<16xf32>
        %mul3A_225 = arith.mulf %gather3A_222, %mul3A_224 : vector<16xf32>
        tpu.vector_store_idx %arg9[%shift_right_logical3A_194, %and3A_197, %add3A_221], %mul3A_225 : memref<8x8x128xf32, #tpu.memory_space<vmem>>[vector<16xi32>, vector<16xi32>, vector<16xi32>], vector<16xf32>,
        %add3A_226 = arith.constant 64 : i32
        %add3A_227 = vector.broadcast %add3A_226 : i32 to vector<16xi32>
        %add3A_228 = arith.addi %iota3A, %add3A_227 : vector<16xi32>
        %gather3A_229 = tpu.vector_load_idx %arg7[%add3A_228, %and3A_191] : memref<128x128xf32, #tpu.memory_space<vmem>>[vector<16xi32>, vector<16xi32>], vector<16xf32>,
        %mul3A_230 = arith.constant 8.000000e+00 : f32
        %mul3A_231 = vector.broadcast %mul3A_230 : f32 to vector<16xf32>
        %mul3A_232 = arith.mulf %gather3A_229, %mul3A_231 : vector<16xf32>
        tpu.vector_store_idx %arg9[%shift_right_logical3A_194, %and3A_197, %add3A_228], %mul3A_232 : memref<8x8x128xf32, #tpu.memory_space<vmem>>[vector<16xi32>, vector<16xi32>, vector<16xi32>], vector<16xf32>,
        %add3A_233 = arith.constant 80 : i32
        %add3A_234 = vector.broadcast %add3A_233 : i32 to vector<16xi32>
        %add3A_235 = arith.addi %iota3A, %add3A_234 : vector<16xi32>
        %gather3A_236 = tpu.vector_load_idx %arg7[%add3A_235, %and3A_191] : memref<128x128xf32, #tpu.memory_space<vmem>>[vector<16xi32>, vector<16xi32>], vector<16xf32>,
        %mul3A_237 = arith.constant 8.000000e+00 : f32
        %mul3A_238 = vector.broadcast %mul3A_237 : f32 to vector<16xf32>
        %mul3A_239 = arith.mulf %gather3A_236, %mul3A_238 : vector<16xf32>
        tpu.vector_store_idx %arg9[%shift_right_logical3A_194, %and3A_197, %add3A_235], %mul3A_239 : memref<8x8x128xf32, #tpu.memory_space<vmem>>[vector<16xi32>, vector<16xi32>, vector<16xi32>], vector<16xf32>,
        %add3A_240 = arith.constant 96 : i32
        %add3A_241 = vector.broadcast %add3A_240 : i32 to vector<16xi32>
        %add3A_242 = arith.addi %iota3A, %add3A_241 : vector<16xi32>
        %gather3A_243 = tpu.vector_load_idx %arg7[%add3A_242, %and3A_191] : memref<128x128xf32, #tpu.memory_space<vmem>>[vector<16xi32>, vector<16xi32>], vector<16xf32>,
        %mul3A_244 = arith.constant 8.000000e+00 : f32
        %mul3A_245 = vector.broadcast %mul3A_244 : f32 to vector<16xf32>
        %mul3A_246 = arith.mulf %gather3A_243, %mul3A_245 : vector<16xf32>
        tpu.vector_store_idx %arg9[%shift_right_logical3A_194, %and3A_197, %add3A_242], %mul3A_246 : memref<8x8x128xf32, #tpu.memory_space<vmem>>[vector<16xi32>, vector<16xi32>, vector<16xi32>], vector<16xf32>,
        %add3A_247 = arith.constant 112 : i32
        %add3A_248 = vector.broadcast %add3A_247 : i32 to vector<16xi32>
        %add3A_249 = arith.addi %iota3A, %add3A_248 : vector<16xi32>
        %gather3A_250 = tpu.vector_load_idx %arg7[%add3A_249, %and3A_191] : memref<128x128xf32, #tpu.memory_space<vmem>>[vector<16xi32>, vector<16xi32>], vector<16xf32>,
        %mul3A_251 = arith.constant 8.000000e+00 : f32
        %mul3A_252 = vector.broadcast %mul3A_251 : f32 to vector<16xf32>
        %mul3A_253 = arith.mulf %gather3A_250, %mul3A_252 : vector<16xf32>
        tpu.vector_store_idx %arg9[%shift_right_logical3A_194, %and3A_197, %add3A_249], %mul3A_253 : memref<8x8x128xf32, #tpu.memory_space<vmem>>[vector<16xi32>, vector<16xi32>, vector<16xi32>], vector<16xf32>,
        %scan3A_254 = arith.constant 2 : i32
        %scan3A_255 = arith.addi %scan3A_119, %scan3A_254 : i32
        %add3A_256 = vector.broadcast %scan3A_255 : i32 to vector<16xi32>
        %add3A_257 = arith.addi %iota3A, %add3A_256 : vector<16xi32>
        %and3A_258 = arith.constant 63 : i32
        %and3A_259 = vector.broadcast %and3A_258 : i32 to vector<16xi32>
        %and3A_260 = arith.andi %add3A_257, %and3A_259 : vector<16xi32>
        %shift_right_logical3A_261 = arith.constant 3 : i32
        %shift_right_logical3A_262 = vector.broadcast %shift_right_logical3A_261 : i32 to vector<16xi32>
        %shift_right_logical3A_263 = arith.shrui %and3A_260, %shift_right_logical3A_262 : vector<16xi32>
        %and3A_264 = arith.constant 7 : i32
        %and3A_265 = vector.broadcast %and3A_264 : i32 to vector<16xi32>
        %and3A_266 = arith.andi %and3A_260, %and3A_265 : vector<16xi32>
        %add3A_267 = arith.constant 0 : i32
        %add3A_268 = vector.broadcast %add3A_267 : i32 to vector<16xi32>
        %add3A_269 = arith.addi %iota3A, %add3A_268 : vector<16xi32>
        %gather3A_270 = tpu.vector_load_idx %arg7[%add3A_269, %and3A_260] : memref<128x128xf32, #tpu.memory_space<vmem>>[vector<16xi32>, vector<16xi32>], vector<16xf32>,
        %mul3A_271 = arith.constant 8.000000e+00 : f32
        %mul3A_272 = vector.broadcast %mul3A_271 : f32 to vector<16xf32>
        %mul3A_273 = arith.mulf %gather3A_270, %mul3A_272 : vector<16xf32>
        tpu.vector_store_idx %arg9[%shift_right_logical3A_263, %and3A_266, %add3A_269], %mul3A_273 : memref<8x8x128xf32, #tpu.memory_space<vmem>>[vector<16xi32>, vector<16xi32>, vector<16xi32>], vector<16xf32>,
        %add3A_274 = arith.constant 16 : i32
        %add3A_275 = vector.broadcast %add3A_274 : i32 to vector<16xi32>
        %add3A_276 = arith.addi %iota3A, %add3A_275 : vector<16xi32>
        %gather3A_277 = tpu.vector_load_idx %arg7[%add3A_276, %and3A_260] : memref<128x128xf32, #tpu.memory_space<vmem>>[vector<16xi32>, vector<16xi32>], vector<16xf32>,
        %mul3A_278 = arith.constant 8.000000e+00 : f32
        %mul3A_279 = vector.broadcast %mul3A_278 : f32 to vector<16xf32>
        %mul3A_280 = arith.mulf %gather3A_277, %mul3A_279 : vector<16xf32>
        tpu.vector_store_idx %arg9[%shift_right_logical3A_263, %and3A_266, %add3A_276], %mul3A_280 : memref<8x8x128xf32, #tpu.memory_space<vmem>>[vector<16xi32>, vector<16xi32>, vector<16xi32>], vector<16xf32>,
        %add3A_281 = arith.constant 32 : i32
        %add3A_282 = vector.broadcast %add3A_281 : i32 to vector<16xi32>
        %add3A_283 = arith.addi %iota3A, %add3A_282 : vector<16xi32>
        %gather3A_284 = tpu.vector_load_idx %arg7[%add3A_283, %and3A_260] : memref<128x128xf32, #tpu.memory_space<vmem>>[vector<16xi32>, vector<16xi32>], vector<16xf32>,
        %mul3A_285 = arith.constant 8.000000e+00 : f32
        %mul3A_286 = vector.broadcast %mul3A_285 : f32 to vector<16xf32>
        %mul3A_287 = arith.mulf %gather3A_284, %mul3A_286 : vector<16xf32>
        tpu.vector_store_idx %arg9[%shift_right_logical3A_263, %and3A_266, %add3A_283], %mul3A_287 : memref<8x8x128xf32, #tpu.memory_space<vmem>>[vector<16xi32>, vector<16xi32>, vector<16xi32>], vector<16xf32>,
        %add3A_288 = arith.constant 48 : i32
        %add3A_289 = vector.broadcast %add3A_288 : i32 to vector<16xi32>
        %add3A_290 = arith.addi %iota3A, %add3A_289 : vector<16xi32>
        %gather3A_291 = tpu.vector_load_idx %arg7[%add3A_290, %and3A_260] : memref<128x128xf32, #tpu.memory_space<vmem>>[vector<16xi32>, vector<16xi32>], vector<16xf32>,
        %mul3A_292 = arith.constant 8.000000e+00 : f32
        %mul3A_293 = vector.broadcast %mul3A_292 : f32 to vector<16xf32>
        %mul3A_294 = arith.mulf %gather3A_291, %mul3A_293 : vector<16xf32>
        tpu.vector_store_idx %arg9[%shift_right_logical3A_263, %and3A_266, %add3A_290], %mul3A_294 : memref<8x8x128xf32, #tpu.memory_space<vmem>>[vector<16xi32>, vector<16xi32>, vector<16xi32>], vector<16xf32>,
        %add3A_295 = arith.constant 64 : i32
        %add3A_296 = vector.broadcast %add3A_295 : i32 to vector<16xi32>
        %add3A_297 = arith.addi %iota3A, %add3A_296 : vector<16xi32>
        %gather3A_298 = tpu.vector_load_idx %arg7[%add3A_297, %and3A_260] : memref<128x128xf32, #tpu.memory_space<vmem>>[vector<16xi32>, vector<16xi32>], vector<16xf32>,
        %mul3A_299 = arith.constant 8.000000e+00 : f32
        %mul3A_300 = vector.broadcast %mul3A_299 : f32 to vector<16xf32>
        %mul3A_301 = arith.mulf %gather3A_298, %mul3A_300 : vector<16xf32>
        tpu.vector_store_idx %arg9[%shift_right_logical3A_263, %and3A_266, %add3A_297], %mul3A_301 : memref<8x8x128xf32, #tpu.memory_space<vmem>>[vector<16xi32>, vector<16xi32>, vector<16xi32>], vector<16xf32>,
        %add3A_302 = arith.constant 80 : i32
        %add3A_303 = vector.broadcast %add3A_302 : i32 to vector<16xi32>
        %add3A_304 = arith.addi %iota3A, %add3A_303 : vector<16xi32>
        %gather3A_305 = tpu.vector_load_idx %arg7[%add3A_304, %and3A_260] : memref<128x128xf32, #tpu.memory_space<vmem>>[vector<16xi32>, vector<16xi32>], vector<16xf32>,
        %mul3A_306 = arith.constant 8.000000e+00 : f32
        %mul3A_307 = vector.broadcast %mul3A_306 : f32 to vector<16xf32>
        %mul3A_308 = arith.mulf %gather3A_305, %mul3A_307 : vector<16xf32>
        tpu.vector_store_idx %arg9[%shift_right_logical3A_263, %and3A_266, %add3A_304], %mul3A_308 : memref<8x8x128xf32, #tpu.memory_space<vmem>>[vector<16xi32>, vector<16xi32>, vector<16xi32>], vector<16xf32>,
        %add3A_309 = arith.constant 96 : i32
        %add3A_310 = vector.broadcast %add3A_309 : i32 to vector<16xi32>
        %add3A_311 = arith.addi %iota3A, %add3A_310 : vector<16xi32>
        %gather3A_312 = tpu.vector_load_idx %arg7[%add3A_311, %and3A_260] : memref<128x128xf32, #tpu.memory_space<vmem>>[vector<16xi32>, vector<16xi32>], vector<16xf32>,
        %mul3A_313 = arith.constant 8.000000e+00 : f32
        %mul3A_314 = vector.broadcast %mul3A_313 : f32 to vector<16xf32>
        %mul3A_315 = arith.mulf %gather3A_312, %mul3A_314 : vector<16xf32>
        tpu.vector_store_idx %arg9[%shift_right_logical3A_263, %and3A_266, %add3A_311], %mul3A_315 : memref<8x8x128xf32, #tpu.memory_space<vmem>>[vector<16xi32>, vector<16xi32>, vector<16xi32>], vector<16xf32>,
        %add3A_316 = arith.constant 112 : i32
        %add3A_317 = vector.broadcast %add3A_316 : i32 to vector<16xi32>
        %add3A_318 = arith.addi %iota3A, %add3A_317 : vector<16xi32>
        %gather3A_319 = tpu.vector_load_idx %arg7[%add3A_318, %and3A_260] : memref<128x128xf32, #tpu.memory_space<vmem>>[vector<16xi32>, vector<16xi32>], vector<16xf32>,
        %mul3A_320 = arith.constant 8.000000e+00 : f32
        %mul3A_321 = vector.broadcast %mul3A_320 : f32 to vector<16xf32>
        %mul3A_322 = arith.mulf %gather3A_319, %mul3A_321 : vector<16xf32>
        tpu.vector_store_idx %arg9[%shift_right_logical3A_263, %and3A_266, %add3A_318], %mul3A_322 : memref<8x8x128xf32, #tpu.memory_space<vmem>>[vector<16xi32>, vector<16xi32>, vector<16xi32>], vector<16xf32>,
        %scan3A_323 = arith.constant 3 : i32
        %scan3A_324 = arith.addi %scan3A_119, %scan3A_323 : i32
        %add3A_325 = vector.broadcast %scan3A_324 : i32 to vector<16xi32>
        %add3A_326 = arith.addi %iota3A, %add3A_325 : vector<16xi32>
        %and3A_327 = arith.constant 63 : i32
        %and3A_328 = vector.broadcast %and3A_327 : i32 to vector<16xi32>
        %and3A_329 = arith.andi %add3A_326, %and3A_328 : vector<16xi32>
        %shift_right_logical3A_330 = arith.constant 3 : i32
        %shift_right_logical3A_331 = vector.broadcast %shift_right_logical3A_330 : i32 to vector<16xi32>
        %shift_right_logical3A_332 = arith.shrui %and3A_329, %shift_right_logical3A_331 : vector<16xi32>
        %and3A_333 = arith.constant 7 : i32
        %and3A_334 = vector.broadcast %and3A_333 : i32 to vector<16xi32>
        %and3A_335 = arith.andi %and3A_329, %and3A_334 : vector<16xi32>
        %add3A_336 = arith.constant 0 : i32
        %add3A_337 = vector.broadcast %add3A_336 : i32 to vector<16xi32>
        %add3A_338 = arith.addi %iota3A, %add3A_337 : vector<16xi32>
        %gather3A_339 = tpu.vector_load_idx %arg7[%add3A_338, %and3A_329] : memref<128x128xf32, #tpu.memory_space<vmem>>[vector<16xi32>, vector<16xi32>], vector<16xf32>,
        %mul3A_340 = arith.constant 8.000000e+00 : f32
        %mul3A_341 = vector.broadcast %mul3A_340 : f32 to vector<16xf32>
        %mul3A_342 = arith.mulf %gather3A_339, %mul3A_341 : vector<16xf32>
        tpu.vector_store_idx %arg9[%shift_right_logical3A_332, %and3A_335, %add3A_338], %mul3A_342 : memref<8x8x128xf32, #tpu.memory_space<vmem>>[vector<16xi32>, vector<16xi32>, vector<16xi32>], vector<16xf32>,
        %add3A_343 = arith.constant 16 : i32
        %add3A_344 = vector.broadcast %add3A_343 : i32 to vector<16xi32>
        %add3A_345 = arith.addi %iota3A, %add3A_344 : vector<16xi32>
        %gather3A_346 = tpu.vector_load_idx %arg7[%add3A_345, %and3A_329] : memref<128x128xf32, #tpu.memory_space<vmem>>[vector<16xi32>, vector<16xi32>], vector<16xf32>,
        %mul3A_347 = arith.constant 8.000000e+00 : f32
        %mul3A_348 = vector.broadcast %mul3A_347 : f32 to vector<16xf32>
        %mul3A_349 = arith.mulf %gather3A_346, %mul3A_348 : vector<16xf32>
        tpu.vector_store_idx %arg9[%shift_right_logical3A_332, %and3A_335, %add3A_345], %mul3A_349 : memref<8x8x128xf32, #tpu.memory_space<vmem>>[vector<16xi32>, vector<16xi32>, vector<16xi32>], vector<16xf32>,
        %add3A_350 = arith.constant 32 : i32
        %add3A_351 = vector.broadcast %add3A_350 : i32 to vector<16xi32>
        %add3A_352 = arith.addi %iota3A, %add3A_351 : vector<16xi32>
        %gather3A_353 = tpu.vector_load_idx %arg7[%add3A_352, %and3A_329] : memref<128x128xf32, #tpu.memory_space<vmem>>[vector<16xi32>, vector<16xi32>], vector<16xf32>,
        %mul3A_354 = arith.constant 8.000000e+00 : f32
        %mul3A_355 = vector.broadcast %mul3A_354 : f32 to vector<16xf32>
        %mul3A_356 = arith.mulf %gather3A_353, %mul3A_355 : vector<16xf32>
        tpu.vector_store_idx %arg9[%shift_right_logical3A_332, %and3A_335, %add3A_352], %mul3A_356 : memref<8x8x128xf32, #tpu.memory_space<vmem>>[vector<16xi32>, vector<16xi32>, vector<16xi32>], vector<16xf32>,
        %add3A_357 = arith.constant 48 : i32
        %add3A_358 = vector.broadcast %add3A_357 : i32 to vector<16xi32>
        %add3A_359 = arith.addi %iota3A, %add3A_358 : vector<16xi32>
        %gather3A_360 = tpu.vector_load_idx %arg7[%add3A_359, %and3A_329] : memref<128x128xf32, #tpu.memory_space<vmem>>[vector<16xi32>, vector<16xi32>], vector<16xf32>,
        %mul3A_361 = arith.constant 8.000000e+00 : f32
        %mul3A_362 = vector.broadcast %mul3A_361 : f32 to vector<16xf32>
        %mul3A_363 = arith.mulf %gather3A_360, %mul3A_362 : vector<16xf32>
        tpu.vector_store_idx %arg9[%shift_right_logical3A_332, %and3A_335, %add3A_359], %mul3A_363 : memref<8x8x128xf32, #tpu.memory_space<vmem>>[vector<16xi32>, vector<16xi32>, vector<16xi32>], vector<16xf32>,
        %add3A_364 = arith.constant 64 : i32
        %add3A_365 = vector.broadcast %add3A_364 : i32 to vector<16xi32>
        %add3A_366 = arith.addi %iota3A, %add3A_365 : vector<16xi32>
        %gather3A_367 = tpu.vector_load_idx %arg7[%add3A_366, %and3A_329] : memref<128x128xf32, #tpu.memory_space<vmem>>[vector<16xi32>, vector<16xi32>], vector<16xf32>,
        %mul3A_368 = arith.constant 8.000000e+00 : f32
        %mul3A_369 = vector.broadcast %mul3A_368 : f32 to vector<16xf32>
        %mul3A_370 = arith.mulf %gather3A_367, %mul3A_369 : vector<16xf32>
        tpu.vector_store_idx %arg9[%shift_right_logical3A_332, %and3A_335, %add3A_366], %mul3A_370 : memref<8x8x128xf32, #tpu.memory_space<vmem>>[vector<16xi32>, vector<16xi32>, vector<16xi32>], vector<16xf32>,
        %add3A_371 = arith.constant 80 : i32
        %add3A_372 = vector.broadcast %add3A_371 : i32 to vector<16xi32>
        %add3A_373 = arith.addi %iota3A, %add3A_372 : vector<16xi32>
        %gather3A_374 = tpu.vector_load_idx %arg7[%add3A_373, %and3A_329] : memref<128x128xf32, #tpu.memory_space<vmem>>[vector<16xi32>, vector<16xi32>], vector<16xf32>,
        %mul3A_375 = arith.constant 8.000000e+00 : f32
        %mul3A_376 = vector.broadcast %mul3A_375 : f32 to vector<16xf32>
        %mul3A_377 = arith.mulf %gather3A_374, %mul3A_376 : vector<16xf32>
        tpu.vector_store_idx %arg9[%shift_right_logical3A_332, %and3A_335, %add3A_373], %mul3A_377 : memref<8x8x128xf32, #tpu.memory_space<vmem>>[vector<16xi32>, vector<16xi32>, vector<16xi32>], vector<16xf32>,
        %add3A_378 = arith.constant 96 : i32
        %add3A_379 = vector.broadcast %add3A_378 : i32 to vector<16xi32>
        %add3A_380 = arith.addi %iota3A, %add3A_379 : vector<16xi32>
        %gather3A_381 = tpu.vector_load_idx %arg7[%add3A_380, %and3A_329] : memref<128x128xf32, #tpu.memory_space<vmem>>[vector<16xi32>, vector<16xi32>], vector<16xf32>,
        %mul3A_382 = arith.constant 8.000000e+00 : f32
        %mul3A_383 = vector.broadcast %mul3A_382 : f32 to vector<16xf32>
        %mul3A_384 = arith.mulf %gather3A_381, %mul3A_383 : vector<16xf32>
        tpu.vector_store_idx %arg9[%shift_right_logical3A_332, %and3A_335, %add3A_380], %mul3A_384 : memref<8x8x128xf32, #tpu.memory_space<vmem>>[vector<16xi32>, vector<16xi32>, vector<16xi32>], vector<16xf32>,
        %add3A_385 = arith.constant 112 : i32
        %add3A_386 = vector.broadcast %add3A_385 : i32 to vector<16xi32>
        %add3A_387 = arith.addi %iota3A, %add3A_386 : vector<16xi32>
        %gather3A_388 = tpu.vector_load_idx %arg7[%add3A_387, %and3A_329] : memref<128x128xf32, #tpu.memory_space<vmem>>[vector<16xi32>, vector<16xi32>], vector<16xf32>,
        %mul3A_389 = arith.constant 8.000000e+00 : f32
        %mul3A_390 = vector.broadcast %mul3A_389 : f32 to vector<16xf32>
        %mul3A_391 = arith.mulf %gather3A_388, %mul3A_390 : vector<16xf32>
        tpu.vector_store_idx %arg9[%shift_right_logical3A_332, %and3A_335, %add3A_387], %mul3A_391 : memref<8x8x128xf32, #tpu.memory_space<vmem>>[vector<16xi32>, vector<16xi32>, vector<16xi32>], vector<16xf32>,
      }
      %scan3A_108 = arith.constant 64 : i32
      %dma_start3A_109 = arith.constant 0 : i32
      %dma_start3A_110 = arith.constant 0 : i32
      %dma_start3A_111 = arith.constant 0 : i32
      %dma_start3A_112 = tpu.memref_slice %arg4[%add3A_78, %dma_start3A_109, %add3A, %dma_start3A_110, %dma_start3A_111] : memref<200x8x32x8x128xf32, #tpu.memory_space<hbm>> -> memref<1x8x1x8x128xf32, #tpu.memory_space<hbm>>
      %dma_start3A_113 = tpu.memref_squeeze %dma_start3A_112 : memref<1x8x1x8x128xf32, #tpu.memory_space<hbm>> -> memref<8x8x128xf32, #tpu.memory_space<hbm>>
      %dma_start3A_114 = arith.constant 0 : i32
      %dma_start3A_115 = arith.constant 0 : i32
      %dma_start3A_116 = arith.constant 0 : i32
      %dma_start3A_117 = tpu.memref_slice %arg4[%add3A_78, %dma_start3A_114, %add3A, %dma_start3A_115, %dma_start3A_116] : memref<200x8x32x8x128xf32, #tpu.memory_space<hbm>> -> memref<1x8x1x8x128xf32, #tpu.memory_space<hbm>>
      %dma_start3A_118 = tpu.memref_squeeze %dma_start3A_117 : memref<1x8x1x8x128xf32, #tpu.memory_space<hbm>> -> memref<8x8x128xf32, #tpu.memory_space<hbm>>
      tpu.enqueue_dma source(%arg9 : memref<8x8x128xf32, #tpu.memory_space<vmem>>) target(%dma_start3A_118 : memref<8x8x128xf32, #tpu.memory_space<hbm>>) target_semaphore(%arg13 : memref<!tpu.dma_semaphore, #tpu.memory_space<semaphore_mem>>)
    }
    %scan3A_13 = arith.constant 100 : i32
    %dma_wait3A = arith.constant 0 : i32
    %dma_wait3A_14 = arith.constant 0 : i32
    %dma_wait3A_15 = arith.constant 0 : i32
    %dma_wait3A_16 = arith.constant 0 : i32
    %dma_wait3A_17 = tpu.memref_slice %arg4[%dma_wait3A, %dma_wait3A_14, %add3A, %dma_wait3A_15, %dma_wait3A_16] : memref<200x8x32x8x128xf32, #tpu.memory_space<hbm>> -> memref<1x8x1x8x128xf32, #tpu.memory_space<hbm>>
    %dma_wait3A_18 = tpu.memref_squeeze %dma_wait3A_17 : memref<1x8x1x8x128xf32, #tpu.memory_space<hbm>> -> memref<8x8x128xf32, #tpu.memory_space<hbm>>
    %dma_wait3A_19 = arith.constant 0 : i32
    %dma_wait3A_20 = arith.constant 0 : i32
    %dma_wait3A_21 = arith.constant 0 : i32
    %dma_wait3A_22 = tpu.memref_slice %arg4[%dma_wait3A, %dma_wait3A_19, %add3A, %dma_wait3A_20, %dma_wait3A_21] : memref<200x8x32x8x128xf32, #tpu.memory_space<hbm>> -> memref<1x8x1x8x128xf32, #tpu.memory_space<hbm>>
    %dma_wait3A_23 = tpu.memref_squeeze %dma_wait3A_22 : memref<1x8x1x8x128xf32, #tpu.memory_space<hbm>> -> memref<8x8x128xf32, #tpu.memory_space<hbm>>
    tpu.wait_dma2 semaphore(%arg12 : memref<!tpu.dma_semaphore, #tpu.memory_space<semaphore_mem>>) src(%arg8 : memref<8x8x128xf32, #tpu.memory_space<vmem>>) dst(%dma_wait3A_23 : memref<8x8x128xf32, #tpu.memory_space<hbm>>)
    %dma_wait3A_24 = arith.constant 0 : i32
    %dma_wait3A_25 = arith.constant 0 : i32
    %dma_wait3A_26 = arith.constant 0 : i32
    %dma_wait3A_27 = arith.constant 0 : i32
    %dma_wait3A_28 = tpu.memref_slice %arg4[%dma_wait3A_24, %dma_wait3A_25, %add3A, %dma_wait3A_26, %dma_wait3A_27] : memref<200x8x32x8x128xf32, #tpu.memory_space<hbm>> -> memref<1x8x1x8x128xf32, #tpu.memory_space<hbm>>
    %dma_wait3A_29 = tpu.memref_squeeze %dma_wait3A_28 : memref<1x8x1x8x128xf32, #tpu.memory_space<hbm>> -> memref<8x8x128xf32, #tpu.memory_space<hbm>>
    %dma_wait3A_30 = arith.constant 0 : i32
    %dma_wait3A_31 = arith.constant 0 : i32
    %dma_wait3A_32 = arith.constant 0 : i32
    %dma_wait3A_33 = tpu.memref_slice %arg4[%dma_wait3A_24, %dma_wait3A_30, %add3A, %dma_wait3A_31, %dma_wait3A_32] : memref<200x8x32x8x128xf32, #tpu.memory_space<hbm>> -> memref<1x8x1x8x128xf32, #tpu.memory_space<hbm>>
    %dma_wait3A_34 = tpu.memref_squeeze %dma_wait3A_33 : memref<1x8x1x8x128xf32, #tpu.memory_space<hbm>> -> memref<8x8x128xf32, #tpu.memory_space<hbm>>
    tpu.wait_dma2 semaphore(%arg13 : memref<!tpu.dma_semaphore, #tpu.memory_space<semaphore_mem>>) src(%arg9 : memref<8x8x128xf32, #tpu.memory_space<vmem>>) dst(%dma_wait3A_34 : memref<8x8x128xf32, #tpu.memory_space<hbm>>)
    return
  }
}

</mosaic_0001>

<sc_bundles>
// kernel: kernel.3.cloned.1.call-start
scs
__scs_entry_jumppad:
0x0: {  	(pc) =	sbr.rel $0x88, $3  }
0x1: {  	(tag) =	ssettag $0x0;
	lr =	simm.s32 $0x1  }
0x2: {  	[smem:$0x3F9F] =	sst lr;
	_ =	strace $0xD0000000  }
0x3: {  	_ = 	snop  }
0x4: {  	_ = 	snop  }
0x5: {  	_ = 	snop  }
0x6: {  	_ = 	snop  }
0x7: {  	_ = 	snop  }
__scs_overlays_trampoline_lowered:
0x8: {  	[smem:$0x3FAE] =	sst s0  }
0x9: {  	[smem:$0x3FAF] =	sst s1  }
0xa: {  	[smem:$0x3FB0] =	sst s2  }
0xb: {  	[smem:$0x3FB1] =	sst s3  }
0xc: {  	[smem:$0x3FB2] =	sst s4  }
0xd: {  	[smem:$0x3FB3] =	sst s5  }
0xe: {  	[smem:$0x3FB4] =	sst s6  }
0xf: {  	[smem:$0x3FB5] =	sst s7  }
0x10: {  	[smem:$0x3FB6] =	sst s8  }
0x11: {  	[smem:$0x3FB7] =	sst s9;
	s0 =	simm.s32 @!p0 $0x0  }
0x12: {  	s1 =	sld [smem:$0x3F9D];
	s0 =	simm.s32 @p0 $0x1  }
0x13: {  	[smem:$0x3FB8] =	sst s0;
	s0 =	simm.s32 @!p1 $0x0  }
0x14: {  	s2 =	sld [smem:$0x3F9C];
	s0 =	simm.s32 @p1 $0x1  }
0x15: {  	[smem:$0x3FB9] =	sst s0;
	s0 =	simm.s32 @!p2 $0x0  }
0x16: {  	s3 =	sld [smem:$0x3FDB];
	s0 =	simm.s32 @p2 $0x1  }
0x17: {  	s4 =	simm.s32 $0x1BF5;
	[smem:$0x3FBB] =	sst s0  }
0x18: {  	s0 =	sld [smem:$0x3F9E];
	_ =	swait.ge [sflag:s4], $0x0  }
0x19: {  	s7 =	sld [smem:$0x3F9F]  }
0x1a: {  	s8 =	sadd.s32 $0xFFFFE003, lr  }
0x1b: {  	s9 =	sadd.s32 $0xFFFFFEF7, lr;
	s5 =	simm.s32 $0xFFFFFFFF;
	p2 =	slt.u32 s8, $0xFFFFF086  }
0x1c: {  	p1 =	slt.u32 s9, $0xF7A;
	s5 =	simm.s32 @!p2 $0x0  }
0x1d: {  	s5 =	simm.s32 @p1 $0x1;
	p0 =	seq.s32 s7, s2  }
0x1e: {  	s7 =	smul.u32 @!p0 $0xF7A, s2;
	p2 =	seq.s32 @!p0 s5, $0x0  }
0x1f: {  	s9 =	smul.u32 $0xF7A, s1;
	s8 =	simm.s32 @!p0 $0x1BF5;
	p2 =	por !p2, p0  }
0x20: {  	[sflag:s8] =	ssyncset.s32 @!p0 $0xFFFFF086;
	s6 =	sadd.s32 @!p0 s3, s7;
	s7 =	simm.s32 @!p0 $0x108  }
0x21: {  	s3 =	sadd.s32 s3, s9;
	s6 =	sadd.s32 @!p0 $0x88, s6;
	s7 =	simm.s32 @p2 $0x1082  }
0x22: {  	[simem:s7], [sflag:s8] =	dma.local @!p0 [hbm:s6], $0xF7A  }
0x23: {  	s9 =	sor.u32 $0xD0000000, s2;
	s6 =	simm.s32 $0x108;
	_ =	swait.ge @!p0 [sflag:s8], $0x0  }
0x24: {  	s3 =	sadd.s32 $0x88, s3;
	s6 =	simm.s32 @!p1 $0x1082;
	[sflag:s4] =	ssyncset.s32 $0xFFFFF086  }
0x25: {  	[simem:s6], [sflag:s4] =	dma.local [hbm:s3], $0xF7A  }
0x26: {  	[smem:$0x3F9F] =	sst s1;
	(tag) =	ssettag s2;
	_ =	strace s9  }
0x27: {  	s1 =	sld [smem:$0x3FAF]  }
0x28: {  	s2 =	sld [smem:$0x3FB0]  }
0x29: {  	s4 =	sld [smem:$0x3FB2]  }
0x2a: {  	p0 =	seq.s32 s5, $0x0;
	s5 =	sld [smem:$0x3FB3]  }
0x2b: {  	s6 =	sld [smem:$0x3FB4]  }
0x2c: {  	s7 =	sld [smem:$0x3FB5]  }
0x2d: {  	s3 =	simm.s32 $0x108;
	s8 =	sld [smem:$0x3FB6]  }
0x2e: {  	s3 =	simm.s32 @!p0 $0x1082;
	s9 =	sld [smem:$0x3FB7]  }
0x2f: {  	lr =	sadd.s32 s0, s3;
	s0 =	sld [smem:$0x3FAE]  }
0x30: {  	s3 =	sld [smem:$0x3FB1]  }
0x31: {  	[smem:$0x3FBA] =	sst s10  }
0x32: {  	s10 =	sld [smem:$0x3FB8];
	_ =	sdelay $0x3  }
0x33: {  	p0 =	seq.s32 s10, $0x1;
	s10 =	sld [smem:$0x3FBA];
	_ =	sdelay $0x3  }
0x34: {  	[smem:$0x3FBA] =	sst s10  }
0x35: {  	s10 =	sld [smem:$0x3FB9];
	_ =	sdelay $0x3  }
0x36: {  	p1 =	seq.s32 s10, $0x1;
	s10 =	sld [smem:$0x3FBA];
	_ =	sdelay $0x3  }
0x37: {  	[smem:$0x3FBA] =	sst s10  }
0x38: {  	s10 =	sld [smem:$0x3FBB]  }
0x39: {  	_ = 	snop;
	(pc) =	sbr.ind lr, $3  }
0x3a: {  	_ = 	snop  }
0x3b: {  	_ = 	snop  }
0x3c: {  	p2 =	seq.s32 s10, $0x1;
	s10 =	sld [smem:$0x3FBA]  }
0x3d: {  	_ =	shalt  }
0x3e: {  	_ =	shalt  }
0x3f: {  	_ =	shalt  }
0x40: {  	_ =	shalt  }
0x41: {  	_ =	shalt  }
0x42: {  	_ =	shalt  }
0x43: {  	_ =	shalt  }
0x44: {  	_ =	shalt  }
0x45: {  	_ =	shalt  }
0x46: {  	_ =	shalt  }
0x47: {  	_ =	shalt  }
0x48: {  	_ =	shalt  }
0x49: {  	_ =	shalt  }
0x4a: {  	_ =	shalt  }
0x4b: {  	_ =	shalt  }
0x4c: {  	_ =	shalt  }
0x4d: {  	_ =	shalt  }
0x4e: {  	_ =	shalt  }
0x4f: {  	_ =	shalt  }
0x50: {  	_ =	shalt  }
0x51: {  	_ =	shalt  }
0x52: {  	_ =	shalt  }
0x53: {  	_ =	shalt  }
0x54: {  	_ =	shalt  }
0x55: {  	_ =	shalt  }
0x56: {  	_ =	shalt  }
0x57: {  	_ =	shalt  }
0x58: {  	_ =	shalt  }
0x59: {  	_ =	shalt  }
0x5a: {  	_ =	shalt  }
0x5b: {  	_ =	shalt  }
0x5c: {  	_ =	shalt  }
0x5d: {  	_ =	shalt  }
0x5e: {  	_ =	shalt  }
0x5f: {  	_ =	shalt  }
0x60: {  	_ =	shalt  }
0x61: {  	_ =	shalt  }
0x62: {  	_ =	shalt  }
0x63: {  	_ =	shalt  }
0x64: {  	_ =	shalt  }
0x65: {  	_ =	shalt  }
0x66: {  	_ =	shalt  }
0x67: {  	_ =	shalt  }
0x68: {  	_ =	shalt  }
0x69: {  	_ =	shalt  }
0x6a: {  	_ =	shalt  }
0x6b: {  	_ =	shalt  }
0x6c: {  	_ =	shalt  }
0x6d: {  	_ =	shalt  }
0x6e: {  	_ =	shalt  }
0x6f: {  	_ =	shalt  }
0x70: {  	_ =	shalt  }
0x71: {  	_ =	shalt  }
0x72: {  	_ =	shalt  }
0x73: {  	_ =	shalt  }
0x74: {  	_ =	shalt  }
0x75: {  	_ =	shalt  }
0x76: {  	_ =	shalt  }
0x77: {  	_ =	shalt  }
0x78: {  	_ =	shalt  }
0x79: {  	_ =	shalt  }
0x7a: {  	_ =	shalt  }
0x7b: {  	_ =	shalt  }
0x7c: {  	_ =	shalt  }
0x7d: {  	_ =	shalt  }
0x7e: {  	_ =	shalt  }
0x7f: {  	_ =	shalt  }
0x80: {  	_ =	shalt  }
0x81: {  	_ =	shalt  }
0x82: {  	_ =	shalt  }
0x83: {  	_ =	shalt  }
0x84: {  	_ =	shalt  }
0x85: {  	_ =	shalt  }
0x86: {  	_ =	shalt  }
0x87: {  	_ =	shalt  }
.Lfunc_end0:
.L_simem_size_0:
called_computation_lowered:
.L_overlay_start_0:
0x88: {  	s2 =	sld [smem:$0x3FD9]  }
0x89: {  	s3 =	sld [smem:$0x3FFE];
	_ =	sdelay $0x1  }
0x8a: {  	s1 =	srdreg.scid  }
0x8b: {  	s0 =	sand.u32 $0x1, s1  }
0x8c: {  	s17 =	sshll.u32 s0, $0xA;
	s2 =	sadd.s32 s3, s2  }
0x8d: {  	s2 =	sadd.s32 s2, s17  }
0x8e: {  	[smem:$0x3FC6] =	sst s2  }
0x8f: {  	_ = 	snop  }
0x90: {  	s2 =	sld [smem:$0x3FD0];
	(tm) =	ssettm $0x1  }
0x91: {  	s18 =	sld [smem:$0x3FFB];
	_ =	sdelay $0x3  }
0x92: {  	_ =	strace s18  }
0x93: {  	s3 =	sld [smem:$0x3FFC];
	_ =	sdelay $0x3  }
0x94: {  	_ =	strace s3  }
0x95: {  	s3 =	sld [smem:$0x3FFD];
	_ =	sdelay $0x3  }
0x96: {  	_ =	strace s3  }
0x97: {  	_ =	strace $0x8FFFFFFF  }
0x98: {  	s19 =	sld [smem:$0x3FDB];
	_ =	sdelay $0x1  }
0x99: {  	s4 =	simm.s32 $_scs_section_size  }
0x9a: {  	s5 =	simm.s32 $_size__tile_overlayer_lowered;
	s6 =	simm.s32 $_tile_overlayer_lowered  }
0x9b: {  	s22 =	simm.s32 $0x1BFF;
	s21 =	sshll.u32 s6, $0x1;
	s3 =	sadd.s32 s4, s19  }
0x9c: {  	s7 =	simm.s32 $0x0;
	s20 =	sshll.u32 s5, $0x1;
	s5 =	sadd.s32 s21, s3  }
0x9d: {  	[timem:s7], [sflag:s22] =	dma.local [hbm:s5], s20  }
0x9e: {  	_ =	swait.ge [sflag:s22], s20  }
0x9f: {  	s4 =	ssub.s32 $0x0, s20;
	[sflag:s22] =	ssyncset.done $0x0  }
0xa0: {  	[sflag:s22] =	ssyncadd.s32 s4;
	_ =	sdelay $0x1  }
0xa1: {  	s23 =	simm.s32 $0x1B8B  }
0xa2: {  	_ =	swait.ge [sflag:s23], $0x1  }
0xa3: {  	[sflag:s23] =	ssyncset.done $0x0  }
0xa4: {  	s25 =	simm.s32 $0x1B8E;
	s24 =	sld [smem:$0x3FFE];
	[sflag:s23] =	ssyncadd.s32 $0xFFFFFFFF  }
0xa5: {  	s26 =	simm.s32 $execute0_lowered;
	[smem:$0x3FD2] =	sst s25  }
0xa6: {  	s5 =	sshll.u32 s26, $0x1;
	_ =	strace $0x80000046;
	[dreg:$0x1] =	wrdreg $0xFFFFFFFF  }
0xa7: {  	s28 =	simm.s32 $_size_execute0_lowered;
	s3 =	sadd.s32 s3, s5;
	[dreg:$0x0] =	wrdreg $0x0  }
0xa8: {  	s5 =	sshll.u32 s28, $0x1;
	[dreg:$0x2] =	wrdreg s3  }
0xa9: {  	[dreg:$0x3] =	wrdreg s5  }
0xaa: {  	[dreg:$0x4] =	wrdreg $0xC0  }
0xab: {  	_ =	task [dreg:s7], $0x5FFFF  }
0xac: {  	[dreg:$0x1] =	wrdreg $0xFFFFFFFF  }
0xad: {  	[dreg:$0x0] =	wrdreg $0x60  }
0xae: {  	[dreg:$0x2] =	wrdreg s24  }
0xaf: {  	[dreg:$0x3] =	wrdreg s2  }
0xb0: {  	[dreg:$0x4] =	wrdreg $0x9  }
0xb1: {  	_ =	task.clear_ibuf [dreg:s7], $0x5FFFF;
	_ =	strace $0x90000046  }
0xb2: {  	s29 =	simm.s32 $0x9;
	_ =	strace $0x80000048  }
0xb3: {  	_ =	swait.ge [sflag:s29], $0x1  }
0xb4: {  	[sflag:s29] =	ssyncadd.s32 $0xFFFFFFFF  }
0xb5: {  	_ =	strace $0x90000048  }
0xb6: {  	_ =	sfence  }
0xb7: {  	s30 =	sld [smem:$0x0];
	_ =	sdelay $0x2  }
0xb8: {  	s31 =	sshll.u32 s1, $0xD;
	s1 =	sshrl.u32 s1, $0x2  }
0xb9: {  	s3 =	sand.u32 $0x4000, s31;
	s1 =	sadd.s32 s1, s30  }
0xba: {  	s0 =	sor.u32 s3, s0;
	s1 =	sshll.u32 s1, $0x11  }
0xbb: {  	s0 =	sor.u32 s1, s0  }
0xbc: {  	s0 =	sadd.s32 $0x8F2B, s0  }
0xbd: {  	[sflag:s0] =	ssyncadd.remote.s32 $0x1  }
0xbe: {  	_ =	sfence.sel $0xFFFF  }
0xbf: {  	[dreg:$0x0] =	wrdreg $0xFFFFFFFF;
	(pc) =	sbr.abs _section_cstart, $3  }
0xc0: {  	[dreg:$0x1] =	wrdreg $0xFFFFFFFF  }
0xc1: {  	_ =	task.clear_ibuf [dreg:s7], $0x2FFFF;
	_ =	strace $0x9FFFFFFF  }
0xc2: {  	(tm) =	ssettm $0x7FFFFFFF  }
0xc3: {  	_ =	shalt  }
tec
execute0_lowered:
.L_overlay_start_1:
0x0: {  	(tag) =	ssettag $0x1  }
0x1: {  	s4 =	rddreg [dreg:$0x0]  }
0x2: {  	s2 =	rddreg [dreg:$0x1]  }
0x3: {  	s0 =	rddreg [dreg:$0x2];
	s5 =	srdreg.scid  }
0x4: {  	s1 =	stileid.u32;
	s3 =	simm.s32 $0x0;
	s9 =	simm.s32 $0x1000  }
0x5: {  	s10 =	simm.s32 $0x5;
	s11 =	simm.s32 $0x6400;
	s12 =	simm.s32 $0xA400  }
0x6: {  	s13 =	simm.s32 $0x1;
	s14 =	simm.s32 $0xE400;
	s15 =	simm.s32 $0x400  }
0x7: {  	s16 =	simm.s32 $0x8000;
	s17 =	simm.s32 $0x2;
	s18 =	simm.s32 $0x10400  }
0x8: {  	v0 =	vlaneseq.u32;
	s19 =	simm.s32 $0x3;
	s20 =	simm.s32 $0x4;
	s21 =	simm.s32 $0x0  }
0x9: {  	s5 =	sand.u32 $0x1, s5;
	s6 =	sshll.u32 s1, $0x1;
	[smem:$0x7FF] =	sst s3;
	v1 =	vmul.u32 $0x80, v0;
	v3 =	vor.u32 $0x10, v0;
	v5 =	vor.u32 $0x20, v0  }
0xa: {  	v7 =	vor.u32 $0x30, v0;
	v9 =	vor.u32 $0x40, v0;
	v11 =	vor.u32 $0x50, v0;
	s6 =	sor.u32 s5, s6;
	_ =	strace $0x80000047;
	s5 =	ssub.s32 $0x2, s5  }
0xb: {  	v13 =	vor.u32 $0x60, v0;
	v15 =	vor.u32 $0x70, v0;
	s7 =	sshll.u32 s6, $0x4;
	s8 =	sshrl.u32 s5, $0x1;
	s6 =	sshll.u32 s6, $0xA;
	v2 =	vor.u32 $0x800, v1  }
0xc: {  	v4 =	vor.u32 $0x1000, v1;
	v6 =	vor.u32 $0x1800, v1;
	v8 =	vor.u32 $0x2000, v1;
	s7 =	sadd.s32 s7, s4;
	s4 =	sadd.s32 $0xF5BA00, s4;
	s8 =	ssub.s32 s5, s8  }
0xd: {  	v10 =	vor.u32 $0x2800, v1;
	v12 =	vor.u32 $0x3000, v1;
	v14 =	vor.u32 $0x3800, v1;
	s5 =	sadd.s32 $0xF42A00, s7;
	s7 =	smax.u32 s8, $0x1;
	s8 =	simm.s32 $0x80  }
.LBB2_1:
0xe: {  	[tilespmem:s3], [sflag:$0x5] =	stream.strided.gather [hbm4b:s5+s8], $0x6400, s9, s8, $0x38;
	[tilespmem:$0x12400] =	vst v63  }
0xf: {  	_ =	swait.ge [sflag:s10], $0x6400  }
0x10: {  	[sflag:s10] =	ssyncset.done $0x0  }
0x11: {  	s22 =	simm.s32 $0x0;
	[sflag:s10] =	ssyncadd.s32 $0xFFFF9C00  }
0x12: {  	[tilespmem:s11], [sflag:$0x1] =	stream.indirect.gather [hbm4b:s4+s8], $0x80, s3, s8, $0xb8;
	[tilespmem:$0x12400] =	vst v63  }
.LBB2_2:
0x13: {  	p0 =	seq.s32 s22, $0x0  }
0x14: {  	s25 =	simm.s32 $0x0;
	s24 =	simm.s32 @!p0 $0x4  }
0x15: {  	s23 =	sshllo.u32 s22, $0x1;
	v16 =	vadd.s32 s25, v0;
	_ =	swait.ge @!p0 [sflag:s24], $0x2000  }
0x16: {  	s26 =	sshll.u32 s23, $0x7;
	v17 =	vand.u32 $0x3F, v16;
	[sflag:s24] =	ssyncset.done @!p0 $0x0  }
0x17: {  	s28 =	sand.u32 $0x3FFFFF80, s26;
	v18 =	vor.u32 v1, v17;
	[sflag:s24] =	ssyncadd.s32 @!p0 $0xFFFFE000  }
0x18: {  	[tilespmem:s12], [sflag:$0x2] =	stream.indirect.gather [hbm4b:s4+s8], $0x80, s28, s8, $0xb8;
	[tilespmem:$0x12400] =	vst v63  }
0x19: {  	_ =	swait.ge [sflag:s13], $0x4000  }
0x1a: {  	[sflag:s13] =	ssyncset.done $0x0  }
0x1b: {  	[sflag:s13] =	ssyncadd.s32 $0xFFFFC000  }
0x1c: {  	v16 =	vshll.u32 v16, $0x7;
	v18 =	vld.idx.msk [tilespmem:v18+s11+$0x0], $0xffff  }
0x1d: {  	v16 =	vand.u32 $0x1F80, v16  }
0x1e: {  	v19 =	vor.u32 v0, v16  }
0x1f: {  	v20 =	vor.u32 v2, v17;
	_ =	sdelay $0x1  }
0x20: {  	v18 =	vmul.f32 $8.000000000e+00, v18;
	_ =	sdelay $0x1  }
0x21: {  	[tilespmem:v19+s14+$0x0] =	vst.idx.msk $0xffff, v18  }
0x22: {  	v18 =	vld.idx.msk [tilespmem:v20+s11+$0x0], $0xffff;
	_ =	sdelay $0x1  }
0x23: {  	v19 =	vor.u32 v3, v16  }
0x24: {  	v20 =	vor.u32 v4, v17;
	_ =	sdelay $0x1  }
0x25: {  	v18 =	vmul.f32 $8.000000000e+00, v18;
	_ =	sdelay $0x1  }
0x26: {  	[tilespmem:v19+s14+$0x0] =	vst.idx.msk $0xffff, v18  }
0x27: {  	v18 =	vld.idx.msk [tilespmem:v20+s11+$0x0], $0xffff;
	_ =	sdelay $0x1  }
0x28: {  	v19 =	vor.u32 v5, v16  }
0x29: {  	v20 =	vor.u32 v6, v17;
	_ =	sdelay $0x1  }
0x2a: {  	v18 =	vmul.f32 $8.000000000e+00, v18;
	_ =	sdelay $0x1  }
0x2b: {  	[tilespmem:v19+s14+$0x0] =	vst.idx.msk $0xffff, v18  }
0x2c: {  	v18 =	vld.idx.msk [tilespmem:v20+s11+$0x0], $0xffff;
	_ =	sdelay $0x1  }
0x2d: {  	v19 =	vor.u32 v7, v16  }
0x2e: {  	v20 =	vor.u32 v8, v17;
	_ =	sdelay $0x1  }
0x2f: {  	v18 =	vmul.f32 $8.000000000e+00, v18;
	_ =	sdelay $0x1  }
0x30: {  	[tilespmem:v19+s14+$0x0] =	vst.idx.msk $0xffff, v18  }
0x31: {  	v18 =	vld.idx.msk [tilespmem:v20+s11+$0x0], $0xffff;
	_ =	sdelay $0x1  }
0x32: {  	v19 =	vor.u32 v9, v16  }
0x33: {  	v20 =	vor.u32 v10, v17;
	_ =	sdelay $0x1  }
0x34: {  	v18 =	vmul.f32 $8.000000000e+00, v18;
	_ =	sdelay $0x1  }
0x35: {  	[tilespmem:v19+s14+$0x0] =	vst.idx.msk $0xffff, v18  }
0x36: {  	v18 =	vld.idx.msk [tilespmem:v20+s11+$0x0], $0xffff;
	_ =	sdelay $0x1  }
0x37: {  	v19 =	vor.u32 v11, v16  }
0x38: {  	v20 =	vor.u32 v12, v17;
	_ =	sdelay $0x1  }
0x39: {  	v18 =	vmul.f32 $8.000000000e+00, v18;
	_ =	sdelay $0x1  }
0x3a: {  	[tilespmem:v19+s14+$0x0] =	vst.idx.msk $0xffff, v18  }
0x3b: {  	v18 =	vld.idx.msk [tilespmem:v20+s11+$0x0], $0xffff;
	_ =	sdelay $0x1  }
0x3c: {  	v19 =	vor.u32 v13, v16  }
0x3d: {  	v17 =	vor.u32 v14, v17;
	_ =	sdelay $0x1  }
0x3e: {  	v18 =	vmul.f32 $8.000000000e+00, v18;
	_ =	sdelay $0x1  }
0x3f: {  	[tilespmem:v19+s14+$0x0] =	vst.idx.msk $0xffff, v18  }
0x40: {  	s29 =	simm.s32 $0x1;
	v17 =	vld.idx.msk [tilespmem:v17+s11+$0x0], $0xffff  }
0x41: {  	v18 =	vadd.s32 s29, v0  }
0x42: {  	v16 =	vor.u32 v15, v16;
	v19 =	vand.u32 $0x3F, v18  }
0x43: {  	v20 =	vor.u32 v1, v19;
	_ =	sdelay $0x1  }
0x44: {  	v17 =	vmul.f32 $8.000000000e+00, v17;
	_ =	sdelay $0x1  }
0x45: {  	[tilespmem:v16+s14+$0x0] =	vst.idx.msk $0xffff, v17  }
0x46: {  	v16 =	vshll.u32 v18, $0x7;
	v17 =	vld.idx.msk [tilespmem:v20+s11+$0x0], $0xffff  }
0x47: {  	v16 =	vand.u32 $0x1F80, v16  }
0x48: {  	v18 =	vor.u32 v0, v16  }
0x49: {  	v20 =	vor.u32 v2, v19;
	_ =	sdelay $0x1  }
0x4a: {  	v17 =	vmul.f32 $8.000000000e+00, v17;
	_ =	sdelay $0x1  }
0x4b: {  	[tilespmem:v18+s14+$0x0] =	vst.idx.msk $0xffff, v17  }
0x4c: {  	v17 =	vld.idx.msk [tilespmem:v20+s11+$0x0], $0xffff;
	_ =	sdelay $0x1  }
0x4d: {  	v18 =	vor.u32 v3, v16  }
0x4e: {  	v20 =	vor.u32 v4, v19;
	_ =	sdelay $0x1  }
0x4f: {  	v17 =	vmul.f32 $8.000000000e+00, v17;
	_ =	sdelay $0x1  }
0x50: {  	[tilespmem:v18+s14+$0x0] =	vst.idx.msk $0xffff, v17  }
0x51: {  	v17 =	vld.idx.msk [tilespmem:v20+s11+$0x0], $0xffff;
	_ =	sdelay $0x1  }
0x52: {  	v18 =	vor.u32 v5, v16  }
0x53: {  	v20 =	vor.u32 v6, v19;
	_ =	sdelay $0x1  }
0x54: {  	v17 =	vmul.f32 $8.000000000e+00, v17;
	_ =	sdelay $0x1  }
0x55: {  	[tilespmem:v18+s14+$0x0] =	vst.idx.msk $0xffff, v17  }
0x56: {  	v17 =	vld.idx.msk [tilespmem:v20+s11+$0x0], $0xffff;
	_ =	sdelay $0x1  }
0x57: {  	v18 =	vor.u32 v7, v16  }
0x58: {  	v20 =	vor.u32 v8, v19;
	_ =	sdelay $0x1  }
0x59: {  	v17 =	vmul.f32 $8.000000000e+00, v17;
	_ =	sdelay $0x1  }
0x5a: {  	[tilespmem:v18+s14+$0x0] =	vst.idx.msk $0xffff, v17  }
0x5b: {  	v17 =	vld.idx.msk [tilespmem:v20+s11+$0x0], $0xffff;
	_ =	sdelay $0x1  }
0x5c: {  	v18 =	vor.u32 v9, v16  }
0x5d: {  	v20 =	vor.u32 v10, v19;
	_ =	sdelay $0x1  }
0x5e: {  	v17 =	vmul.f32 $8.000000000e+00, v17;
	_ =	sdelay $0x1  }
0x5f: {  	[tilespmem:v18+s14+$0x0] =	vst.idx.msk $0xffff, v17  }
0x60: {  	v17 =	vld.idx.msk [tilespmem:v20+s11+$0x0], $0xffff;
	_ =	sdelay $0x1  }
0x61: {  	v18 =	vor.u32 v11, v16  }
0x62: {  	v20 =	vor.u32 v12, v19;
	_ =	sdelay $0x1  }
0x63: {  	v17 =	vmul.f32 $8.000000000e+00, v17;
	_ =	sdelay $0x1  }
0x64: {  	[tilespmem:v18+s14+$0x0] =	vst.idx.msk $0xffff, v17  }
0x65: {  	v17 =	vld.idx.msk [tilespmem:v20+s11+$0x0], $0xffff;
	_ =	sdelay $0x1  }
0x66: {  	v18 =	vor.u32 v13, v16  }
0x67: {  	v19 =	vor.u32 v14, v19;
	_ =	sdelay $0x1  }
0x68: {  	v17 =	vmul.f32 $8.000000000e+00, v17;
	_ =	sdelay $0x1  }
0x69: {  	[tilespmem:v18+s14+$0x0] =	vst.idx.msk $0xffff, v17  }
0x6a: {  	s30 =	simm.s32 $0x2;
	v17 =	vld.idx.msk [tilespmem:v19+s11+$0x0], $0xffff  }
0x6b: {  	v18 =	vadd.s32 s30, v0  }
0x6c: {  	v16 =	vor.u32 v15, v16;
	v19 =	vand.u32 $0x3F, v18  }
0x6d: {  	v20 =	vor.u32 v1, v19;
	_ =	sdelay $0x1  }
0x6e: {  	v17 =	vmul.f32 $8.000000000e+00, v17;
	_ =	sdelay $0x1  }
0x6f: {  	[tilespmem:v16+s14+$0x0] =	vst.idx.msk $0xffff, v17  }
0x70: {  	v16 =	vshll.u32 v18, $0x7;
	v17 =	vld.idx.msk [tilespmem:v20+s11+$0x0], $0xffff  }
0x71: {  	v16 =	vand.u32 $0x1F80, v16  }
0x72: {  	v18 =	vor.u32 v0, v16  }
0x73: {  	v20 =	vor.u32 v2, v19;
	_ =	sdelay $0x1  }
0x74: {  	v17 =	vmul.f32 $8.000000000e+00, v17;
	_ =	sdelay $0x1  }
0x75: {  	[tilespmem:v18+s14+$0x0] =	vst.idx.msk $0xffff, v17  }
0x76: {  	v17 =	vld.idx.msk [tilespmem:v20+s11+$0x0], $0xffff;
	_ =	sdelay $0x1  }
0x77: {  	v18 =	vor.u32 v3, v16  }
0x78: {  	v20 =	vor.u32 v4, v19;
	_ =	sdelay $0x1  }
0x79: {  	v17 =	vmul.f32 $8.000000000e+00, v17;
	_ =	sdelay $0x1  }
0x7a: {  	[tilespmem:v18+s14+$0x0] =	vst.idx.msk $0xffff, v17  }
0x7b: {  	v17 =	vld.idx.msk [tilespmem:v20+s11+$0x0], $0xffff;
	_ =	sdelay $0x1  }
0x7c: {  	v18 =	vor.u32 v5, v16  }
0x7d: {  	v20 =	vor.u32 v6, v19;
	_ =	sdelay $0x1  }
0x7e: {  	v17 =	vmul.f32 $8.000000000e+00, v17;
	_ =	sdelay $0x1  }
0x7f: {  	[tilespmem:v18+s14+$0x0] =	vst.idx.msk $0xffff, v17  }
0x80: {  	v17 =	vld.idx.msk [tilespmem:v20+s11+$0x0], $0xffff;
	_ =	sdelay $0x1  }
0x81: {  	v18 =	vor.u32 v7, v16  }
0x82: {  	v20 =	vor.u32 v8, v19;
	_ =	sdelay $0x1  }
0x83: {  	v17 =	vmul.f32 $8.000000000e+00, v17;
	_ =	sdelay $0x1  }
0x84: {  	[tilespmem:v18+s14+$0x0] =	vst.idx.msk $0xffff, v17  }
0x85: {  	v17 =	vld.idx.msk [tilespmem:v20+s11+$0x0], $0xffff;
	_ =	sdelay $0x1  }
0x86: {  	v18 =	vor.u32 v9, v16  }
0x87: {  	v20 =	vor.u32 v10, v19;
	_ =	sdelay $0x1  }
0x88: {  	v17 =	vmul.f32 $8.000000000e+00, v17;
	_ =	sdelay $0x1  }
0x89: {  	[tilespmem:v18+s14+$0x0] =	vst.idx.msk $0xffff, v17  }
0x8a: {  	v17 =	vld.idx.msk [tilespmem:v20+s11+$0x0], $0xffff;
	_ =	sdelay $0x1  }
0x8b: {  	v18 =	vor.u32 v11, v16  }
0x8c: {  	v20 =	vor.u32 v12, v19;
	_ =	sdelay $0x1  }
0x8d: {  	v17 =	vmul.f32 $8.000000000e+00, v17;
	_ =	sdelay $0x1  }
0x8e: {  	[tilespmem:v18+s14+$0x0] =	vst.idx.msk $0xffff, v17  }
0x8f: {  	v17 =	vld.idx.msk [tilespmem:v20+s11+$0x0], $0xffff;
	_ =	sdelay $0x1  }
0x90: {  	v18 =	vor.u32 v13, v16  }
0x91: {  	v19 =	vor.u32 v14, v19;
	_ =	sdelay $0x1  }
0x92: {  	v17 =	vmul.f32 $8.000000000e+00, v17;
	_ =	sdelay $0x1  }
0x93: {  	[tilespmem:v18+s14+$0x0] =	vst.idx.msk $0xffff, v17  }
0x94: {  	s31 =	simm.s32 $0x3;
	v17 =	vld.idx.msk [tilespmem:v19+s11+$0x0], $0xffff  }
0x95: {  	v18 =	vadd.s32 s31, v0  }
0x96: {  	v16 =	vor.u32 v15, v16;
	v19 =	vand.u32 $0x3F, v18  }
0x97: {  	v20 =	vor.u32 v1, v19;
	_ =	sdelay $0x1  }
0x98: {  	v17 =	vmul.f32 $8.000000000e+00, v17;
	_ =	sdelay $0x1  }
0x99: {  	[tilespmem:v16+s14+$0x0] =	vst.idx.msk $0xffff, v17  }
0x9a: {  	v16 =	vshll.u32 v18, $0x7;
	v17 =	vld.idx.msk [tilespmem:v20+s11+$0x0], $0xffff  }
0x9b: {  	v16 =	vand.u32 $0x1F80, v16  }
0x9c: {  	v18 =	vor.u32 v0, v16  }
0x9d: {  	v20 =	vor.u32 v2, v19;
	_ =	sdelay $0x1  }
0x9e: {  	v17 =	vmul.f32 $8.000000000e+00, v17;
	_ =	sdelay $0x1  }
0x9f: {  	[tilespmem:v18+s14+$0x0] =	vst.idx.msk $0xffff, v17  }
0xa0: {  	v17 =	vld.idx.msk [tilespmem:v20+s11+$0x0], $0xffff;
	_ =	sdelay $0x1  }
0xa1: {  	v18 =	vor.u32 v3, v16  }
0xa2: {  	v20 =	vor.u32 v4, v19;
	_ =	sdelay $0x1  }
0xa3: {  	v17 =	vmul.f32 $8.000000000e+00, v17;
	_ =	sdelay $0x1  }
0xa4: {  	[tilespmem:v18+s14+$0x0] =	vst.idx.msk $0xffff, v17  }
0xa5: {  	v17 =	vld.idx.msk [tilespmem:v20+s11+$0x0], $0xffff;
	_ =	sdelay $0x1  }
0xa6: {  	v18 =	vor.u32 v5, v16  }
0xa7: {  	v20 =	vor.u32 v6, v19;
	_ =	sdelay $0x1  }
0xa8: {  	v17 =	vmul.f32 $8.000000000e+00, v17;
	_ =	sdelay $0x1  }
0xa9: {  	[tilespmem:v18+s14+$0x0] =	vst.idx.msk $0xffff, v17  }
0xaa: {  	v17 =	vld.idx.msk [tilespmem:v20+s11+$0x0], $0xffff;
	_ =	sdelay $0x1  }
0xab: {  	v18 =	vor.u32 v7, v16  }
0xac: {  	v20 =	vor.u32 v8, v19;
	_ =	sdelay $0x1  }
0xad: {  	v17 =	vmul.f32 $8.000000000e+00, v17;
	_ =	sdelay $0x1  }
0xae: {  	[tilespmem:v18+s14+$0x0] =	vst.idx.msk $0xffff, v17  }
0xaf: {  	v17 =	vld.idx.msk [tilespmem:v20+s11+$0x0], $0xffff;
	_ =	sdelay $0x1  }
0xb0: {  	v18 =	vor.u32 v9, v16  }
0xb1: {  	v20 =	vor.u32 v10, v19;
	_ =	sdelay $0x1  }
0xb2: {  	v17 =	vmul.f32 $8.000000000e+00, v17;
	_ =	sdelay $0x1  }
0xb3: {  	[tilespmem:v18+s14+$0x0] =	vst.idx.msk $0xffff, v17  }
0xb4: {  	v17 =	vld.idx.msk [tilespmem:v20+s11+$0x0], $0xffff;
	_ =	sdelay $0x1  }
0xb5: {  	v18 =	vor.u32 v11, v16  }
0xb6: {  	v20 =	vor.u32 v12, v19;
	_ =	sdelay $0x1  }
0xb7: {  	v17 =	vmul.f32 $8.000000000e+00, v17;
	_ =	sdelay $0x1  }
0xb8: {  	[tilespmem:v18+s14+$0x0] =	vst.idx.msk $0xffff, v17  }
0xb9: {  	v17 =	vld.idx.msk [tilespmem:v20+s11+$0x0], $0xffff;
	_ =	sdelay $0x1  }
0xba: {  	v18 =	vor.u32 v13, v16  }
0xbb: {  	v19 =	vor.u32 v14, v19;
	_ =	sdelay $0x1  }
0xbc: {  	v17 =	vmul.f32 $8.000000000e+00, v17;
	_ =	sdelay $0x1  }
0xbd: {  	[tilespmem:v18+s14+$0x0] =	vst.idx.msk $0xffff, v17  }
0xbe: {  	s24 =	simm.s32 $0x4;
	v20 =	vld.idx.msk [tilespmem:v19+s11+$0x0], $0xffff  }
0xbf: {  	v18 =	vadd.s32 s24, v0  }
0xc0: {  	v17 =	vand.u32 $0x3F, v18;
	v19 =	vor.u32 v15, v16  }
0xc1: {  	v21 =	vshll.u32 v18, $0x7;
	v18 =	vor.u32 v1, v17;
	_ =	sdelay $0x1  }
0xc2: {  	s25 =	simm.s32 $0x8;
	v16 =	vand.u32 $0x1F80, v21;
	v20 =	vmul.f32 $8.000000000e+00, v20  }
.LBB2_3:
0xc3: {  	_ = 	snop  }
0xc4: {  	p0 =	slt.u32 s25, $0x3C;
	s26 =	smov.u32 s25;
	s25 =	sadd.s32 $0x4, s25;
	[tilespmem:v19+s14+$0x0] =	vst.idx.msk $0xffff, v20  }
0xc5: {  	v18 =	vld.idx.msk [tilespmem:v18+s11+$0x0], $0xffff;
	_ =	sdelay $0x2  }
0xc6: {  	v19 =	vor.u32 v0, v16  }
0xc7: {  	v20 =	vor.u32 v2, v17;
	_ =	sdelay $0x1  }
0xc8: {  	v18 =	vmul.f32 $8.000000000e+00, v18;
	_ =	sdelay $0x1  }
0xc9: {  	[tilespmem:v19+s14+$0x0] =	vst.idx.msk $0xffff, v18  }
0xca: {  	v18 =	vld.idx.msk [tilespmem:v20+s11+$0x0], $0xffff;
	_ =	sdelay $0x2  }
0xcb: {  	v19 =	vor.u32 v3, v16  }
0xcc: {  	v20 =	vor.u32 v4, v17;
	_ =	sdelay $0x1  }
0xcd: {  	v18 =	vmul.f32 $8.000000000e+00, v18;
	_ =	sdelay $0x1  }
0xce: {  	[tilespmem:v19+s14+$0x0] =	vst.idx.msk $0xffff, v18  }
0xcf: {  	v18 =	vld.idx.msk [tilespmem:v20+s11+$0x0], $0xffff;
	_ =	sdelay $0x2  }
0xd0: {  	v19 =	vor.u32 v5, v16  }
0xd1: {  	v20 =	vor.u32 v6, v17;
	_ =	sdelay $0x1  }
0xd2: {  	v18 =	vmul.f32 $8.000000000e+00, v18;
	_ =	sdelay $0x1  }
0xd3: {  	[tilespmem:v19+s14+$0x0] =	vst.idx.msk $0xffff, v18  }
0xd4: {  	v18 =	vld.idx.msk [tilespmem:v20+s11+$0x0], $0xffff;
	_ =	sdelay $0x2  }
0xd5: {  	v19 =	vor.u32 v7, v16  }
0xd6: {  	v20 =	vor.u32 v8, v17;
	_ =	sdelay $0x1  }
0xd7: {  	v18 =	vmul.f32 $8.000000000e+00, v18;
	_ =	sdelay $0x1  }
0xd8: {  	[tilespmem:v19+s14+$0x0] =	vst.idx.msk $0xffff, v18  }
0xd9: {  	v18 =	vld.idx.msk [tilespmem:v20+s11+$0x0], $0xffff;
	_ =	sdelay $0x2  }
0xda: {  	v19 =	vor.u32 v9, v16  }
0xdb: {  	v20 =	vor.u32 v10, v17;
	_ =	sdelay $0x1  }
0xdc: {  	v18 =	vmul.f32 $8.000000000e+00, v18;
	_ =	sdelay $0x1  }
0xdd: {  	[tilespmem:v19+s14+$0x0] =	vst.idx.msk $0xffff, v18  }
0xde: {  	v18 =	vld.idx.msk [tilespmem:v20+s11+$0x0], $0xffff;
	_ =	sdelay $0x2  }
0xdf: {  	v19 =	vor.u32 v11, v16  }
0xe0: {  	v20 =	vor.u32 v12, v17;
	_ =	sdelay $0x1  }
0xe1: {  	v18 =	vmul.f32 $8.000000000e+00, v18;
	_ =	sdelay $0x1  }
0xe2: {  	[tilespmem:v19+s14+$0x0] =	vst.idx.msk $0xffff, v18  }
0xe3: {  	v18 =	vld.idx.msk [tilespmem:v20+s11+$0x0], $0xffff;
	_ =	sdelay $0x2  }
0xe4: {  	v19 =	vor.u32 v13, v16  }
0xe5: {  	v17 =	vor.u32 v14, v17;
	_ =	sdelay $0x1  }
0xe6: {  	v18 =	vmul.f32 $8.000000000e+00, v18;
	_ =	sdelay $0x1  }
0xe7: {  	[tilespmem:v19+s14+$0x0] =	vst.idx.msk $0xffff, v18  }
0xe8: {  	v17 =	vld.idx.msk [tilespmem:v17+s11+$0x0], $0xffff  }
0xe9: {  	s28 =	sadd.s32 $0x1, s24  }
0xea: {  	v18 =	vadd.s32 s28, v0  }
0xeb: {  	v16 =	vor.u32 v15, v16;
	v19 =	vand.u32 $0x3F, v18;
	v18 =	vshll.u32 v18, $0x7  }
0xec: {  	v20 =	vor.u32 v1, v19;
	v18 =	vand.u32 $0x1F80, v18;
	_ =	sdelay $0x1  }
0xed: {  	v17 =	vmul.f32 $8.000000000e+00, v17;
	_ =	sdelay $0x1  }
0xee: {  	[tilespmem:v16+s14+$0x0] =	vst.idx.msk $0xffff, v17  }
0xef: {  	v16 =	vld.idx.msk [tilespmem:v20+s11+$0x0], $0xffff;
	_ =	sdelay $0x2  }
0xf0: {  	v17 =	vor.u32 v0, v18  }
0xf1: {  	v20 =	vor.u32 v2, v19;
	_ =	sdelay $0x1  }
0xf2: {  	v16 =	vmul.f32 $8.000000000e+00, v16;
	_ =	sdelay $0x1  }
0xf3: {  	[tilespmem:v17+s14+$0x0] =	vst.idx.msk $0xffff, v16  }
0xf4: {  	v16 =	vld.idx.msk [tilespmem:v20+s11+$0x0], $0xffff;
	_ =	sdelay $0x2  }
0xf5: {  	v17 =	vor.u32 v3, v18  }
0xf6: {  	v20 =	vor.u32 v4, v19;
	_ =	sdelay $0x1  }
0xf7: {  	v16 =	vmul.f32 $8.000000000e+00, v16;
	_ =	sdelay $0x1  }
0xf8: {  	[tilespmem:v17+s14+$0x0] =	vst.idx.msk $0xffff, v16  }
0xf9: {  	v16 =	vld.idx.msk [tilespmem:v20+s11+$0x0], $0xffff;
	_ =	sdelay $0x2  }
0xfa: {  	v17 =	vor.u32 v5, v18  }
0xfb: {  	v20 =	vor.u32 v6, v19;
	_ =	sdelay $0x1  }
0xfc: {  	v16 =	vmul.f32 $8.000000000e+00, v16;
	_ =	sdelay $0x1  }
0xfd: {  	[tilespmem:v17+s14+$0x0] =	vst.idx.msk $0xffff, v16  }
0xfe: {  	v16 =	vld.idx.msk [tilespmem:v20+s11+$0x0], $0xffff;
	_ =	sdelay $0x2  }
0xff: {  	v17 =	vor.u32 v7, v18  }
0x100: {  	v20 =	vor.u32 v8, v19;
	_ =	sdelay $0x1  }
0x101: {  	v16 =	vmul.f32 $8.000000000e+00, v16;
	_ =	sdelay $0x1  }
0x102: {  	[tilespmem:v17+s14+$0x0] =	vst.idx.msk $0xffff, v16  }
0x103: {  	v16 =	vld.idx.msk [tilespmem:v20+s11+$0x0], $0xffff;
	_ =	sdelay $0x2  }
0x104: {  	v17 =	vor.u32 v9, v18  }
0x105: {  	v20 =	vor.u32 v10, v19;
	_ =	sdelay $0x1  }
0x106: {  	v16 =	vmul.f32 $8.000000000e+00, v16;
	_ =	sdelay $0x1  }
0x107: {  	[tilespmem:v17+s14+$0x0] =	vst.idx.msk $0xffff, v16  }
0x108: {  	v16 =	vld.idx.msk [tilespmem:v20+s11+$0x0], $0xffff;
	_ =	sdelay $0x2  }
0x109: {  	v17 =	vor.u32 v11, v18  }
0x10a: {  	v20 =	vor.u32 v12, v19;
	_ =	sdelay $0x1  }
0x10b: {  	v16 =	vmul.f32 $8.000000000e+00, v16;
	_ =	sdelay $0x1  }
0x10c: {  	[tilespmem:v17+s14+$0x0] =	vst.idx.msk $0xffff, v16  }
0x10d: {  	v16 =	vld.idx.msk [tilespmem:v20+s11+$0x0], $0xffff;
	_ =	sdelay $0x2  }
0x10e: {  	v17 =	vor.u32 v13, v18  }
0x10f: {  	v19 =	vor.u32 v14, v19;
	_ =	sdelay $0x1  }
0x110: {  	v16 =	vmul.f32 $8.000000000e+00, v16;
	_ =	sdelay $0x1  }
0x111: {  	[tilespmem:v17+s14+$0x0] =	vst.idx.msk $0xffff, v16  }
0x112: {  	v16 =	vld.idx.msk [tilespmem:v19+s11+$0x0], $0xffff  }
0x113: {  	s28 =	sadd.s32 $0x2, s24  }
0x114: {  	v17 =	vadd.s32 s28, v0  }
0x115: {  	v18 =	vor.u32 v15, v18;
	v19 =	vand.u32 $0x3F, v17;
	v17 =	vshll.u32 v17, $0x7  }
0x116: {  	v20 =	vor.u32 v1, v19;
	v17 =	vand.u32 $0x1F80, v17;
	_ =	sdelay $0x1  }
0x117: {  	v16 =	vmul.f32 $8.000000000e+00, v16;
	_ =	sdelay $0x1  }
0x118: {  	[tilespmem:v18+s14+$0x0] =	vst.idx.msk $0xffff, v16  }
0x119: {  	v16 =	vld.idx.msk [tilespmem:v20+s11+$0x0], $0xffff;
	_ =	sdelay $0x2  }
0x11a: {  	v18 =	vor.u32 v0, v17  }
0x11b: {  	v20 =	vor.u32 v2, v19;
	_ =	sdelay $0x1  }
0x11c: {  	v16 =	vmul.f32 $8.000000000e+00, v16;
	_ =	sdelay $0x1  }
0x11d: {  	[tilespmem:v18+s14+$0x0] =	vst.idx.msk $0xffff, v16  }
0x11e: {  	v16 =	vld.idx.msk [tilespmem:v20+s11+$0x0], $0xffff;
	_ =	sdelay $0x2  }
0x11f: {  	v18 =	vor.u32 v3, v17  }
0x120: {  	v20 =	vor.u32 v4, v19;
	_ =	sdelay $0x1  }
0x121: {  	v16 =	vmul.f32 $8.000000000e+00, v16;
	_ =	sdelay $0x1  }
0x122: {  	[tilespmem:v18+s14+$0x0] =	vst.idx.msk $0xffff, v16  }
0x123: {  	v16 =	vld.idx.msk [tilespmem:v20+s11+$0x0], $0xffff;
	_ =	sdelay $0x2  }
0x124: {  	v18 =	vor.u32 v5, v17  }
0x125: {  	v20 =	vor.u32 v6, v19;
	_ =	sdelay $0x1  }
0x126: {  	v16 =	vmul.f32 $8.000000000e+00, v16;
	_ =	sdelay $0x1  }
0x127: {  	[tilespmem:v18+s14+$0x0] =	vst.idx.msk $0xffff, v16  }
0x128: {  	v16 =	vld.idx.msk [tilespmem:v20+s11+$0x0], $0xffff;
	_ =	sdelay $0x2  }
0x129: {  	v18 =	vor.u32 v7, v17  }
0x12a: {  	v20 =	vor.u32 v8, v19;
	_ =	sdelay $0x1  }
0x12b: {  	v16 =	vmul.f32 $8.000000000e+00, v16;
	_ =	sdelay $0x1  }
0x12c: {  	[tilespmem:v18+s14+$0x0] =	vst.idx.msk $0xffff, v16  }
0x12d: {  	v16 =	vld.idx.msk [tilespmem:v20+s11+$0x0], $0xffff;
	_ =	sdelay $0x2  }
0x12e: {  	v18 =	vor.u32 v9, v17  }
0x12f: {  	v20 =	vor.u32 v10, v19;
	_ =	sdelay $0x1  }
0x130: {  	v16 =	vmul.f32 $8.000000000e+00, v16;
	_ =	sdelay $0x1  }
0x131: {  	[tilespmem:v18+s14+$0x0] =	vst.idx.msk $0xffff, v16  }
0x132: {  	v16 =	vld.idx.msk [tilespmem:v20+s11+$0x0], $0xffff;
	_ =	sdelay $0x2  }
0x133: {  	v18 =	vor.u32 v11, v17  }
0x134: {  	v20 =	vor.u32 v12, v19;
	_ =	sdelay $0x1  }
0x135: {  	v16 =	vmul.f32 $8.000000000e+00, v16;
	_ =	sdelay $0x1  }
0x136: {  	[tilespmem:v18+s14+$0x0] =	vst.idx.msk $0xffff, v16  }
0x137: {  	v16 =	vld.idx.msk [tilespmem:v20+s11+$0x0], $0xffff;
	_ =	sdelay $0x2  }
0x138: {  	v18 =	vor.u32 v13, v17  }
0x139: {  	v19 =	vor.u32 v14, v19;
	_ =	sdelay $0x1  }
0x13a: {  	v16 =	vmul.f32 $8.000000000e+00, v16;
	_ =	sdelay $0x1  }
0x13b: {  	[tilespmem:v18+s14+$0x0] =	vst.idx.msk $0xffff, v16  }
0x13c: {  	v16 =	vld.idx.msk [tilespmem:v19+s11+$0x0], $0xffff  }
0x13d: {  	s28 =	sadd.s32 $0x3, s24;
	s24 =	smov.u32 s26  }
0x13e: {  	v18 =	vadd.s32 s28, v0  }
0x13f: {  	v17 =	vor.u32 v15, v17;
	v19 =	vand.u32 $0x3F, v18;
	v18 =	vshll.u32 v18, $0x7  }
0x140: {  	v20 =	vor.u32 v1, v19;
	v18 =	vand.u32 $0x1F80, v18;
	_ =	sdelay $0x1  }
0x141: {  	v16 =	vmul.f32 $8.000000000e+00, v16;
	_ =	sdelay $0x1  }
0x142: {  	[tilespmem:v17+s14+$0x0] =	vst.idx.msk $0xffff, v16  }
0x143: {  	v16 =	vld.idx.msk [tilespmem:v20+s11+$0x0], $0xffff;
	_ =	sdelay $0x2  }
0x144: {  	v17 =	vor.u32 v0, v18  }
0x145: {  	v20 =	vor.u32 v2, v19;
	_ =	sdelay $0x1  }
0x146: {  	v16 =	vmul.f32 $8.000000000e+00, v16;
	_ =	sdelay $0x1  }
0x147: {  	[tilespmem:v17+s14+$0x0] =	vst.idx.msk $0xffff, v16  }
0x148: {  	v16 =	vld.idx.msk [tilespmem:v20+s11+$0x0], $0xffff;
	_ =	sdelay $0x2  }
0x149: {  	v17 =	vor.u32 v3, v18  }
0x14a: {  	v20 =	vor.u32 v4, v19;
	_ =	sdelay $0x1  }
0x14b: {  	v16 =	vmul.f32 $8.000000000e+00, v16;
	_ =	sdelay $0x1  }
0x14c: {  	[tilespmem:v17+s14+$0x0] =	vst.idx.msk $0xffff, v16  }
0x14d: {  	v16 =	vld.idx.msk [tilespmem:v20+s11+$0x0], $0xffff;
	_ =	sdelay $0x2  }
0x14e: {  	v17 =	vor.u32 v5, v18  }
0x14f: {  	v20 =	vor.u32 v6, v19;
	_ =	sdelay $0x1  }
0x150: {  	v16 =	vmul.f32 $8.000000000e+00, v16;
	_ =	sdelay $0x1  }
0x151: {  	[tilespmem:v17+s14+$0x0] =	vst.idx.msk $0xffff, v16  }
0x152: {  	v16 =	vld.idx.msk [tilespmem:v20+s11+$0x0], $0xffff;
	_ =	sdelay $0x2  }
0x153: {  	v17 =	vor.u32 v7, v18  }
0x154: {  	v20 =	vor.u32 v8, v19;
	_ =	sdelay $0x1  }
0x155: {  	v16 =	vmul.f32 $8.000000000e+00, v16;
	_ =	sdelay $0x1  }
0x156: {  	[tilespmem:v17+s14+$0x0] =	vst.idx.msk $0xffff, v16  }
0x157: {  	v16 =	vld.idx.msk [tilespmem:v20+s11+$0x0], $0xffff;
	_ =	sdelay $0x2  }
0x158: {  	v17 =	vor.u32 v9, v18  }
0x159: {  	v20 =	vor.u32 v10, v19;
	_ =	sdelay $0x1  }
0x15a: {  	v16 =	vmul.f32 $8.000000000e+00, v16;
	_ =	sdelay $0x1  }
0x15b: {  	[tilespmem:v17+s14+$0x0] =	vst.idx.msk $0xffff, v16  }
0x15c: {  	v16 =	vld.idx.msk [tilespmem:v20+s11+$0x0], $0xffff;
	_ =	sdelay $0x2  }
0x15d: {  	v17 =	vor.u32 v11, v18  }
0x15e: {  	v20 =	vor.u32 v12, v19;
	_ =	sdelay $0x1  }
0x15f: {  	v16 =	vmul.f32 $8.000000000e+00, v16;
	_ =	sdelay $0x1  }
0x160: {  	[tilespmem:v17+s14+$0x0] =	vst.idx.msk $0xffff, v16  }
0x161: {  	v16 =	vld.idx.msk [tilespmem:v20+s11+$0x0], $0xffff;
	_ =	sdelay $0x2  }
0x162: {  	v17 =	vor.u32 v13, v18  }
0x163: {  	v19 =	vor.u32 v14, v19;
	_ =	sdelay $0x1  }
0x164: {  	v16 =	vmul.f32 $8.000000000e+00, v16;
	_ =	sdelay $0x1  }
0x165: {  	[tilespmem:v17+s14+$0x0] =	vst.idx.msk $0xffff, v16  }
0x166: {  	v20 =	vld.idx.msk [tilespmem:v19+s11+$0x0], $0xffff;
	_ =	sdelay $0x1  }
.Ltmp0:
0x167: {  	v16 =	vadd.s32 s24, v0;
	(pc) =	sbr.rel @p0 .LBB2_3-.Ltmp0, $3  }
0x168: {  	v17 =	vand.u32 $0x3F, v16;
	v16 =	vshll.u32 v16, $0x7;
	v19 =	vor.u32 v15, v18  }
0x169: {  	v18 =	vor.u32 v1, v17;
	v16 =	vand.u32 $0x1F80, v16;
	_ =	sdelay $0x1  }
0x16a: {  	v20 =	vmul.f32 $8.000000000e+00, v20  }
0x16b: {  	_ =	sdelay $0x3  }
0x16c: {  	[tilespmem:v19+s14+$0x0] =	vst.idx.msk $0xffff, v20  }
0x16d: {  	v18 =	vld.idx.msk [tilespmem:v18+s11+$0x0], $0xffff;
	_ =	sdelay $0x1  }
0x16e: {  	v19 =	vor.u32 v0, v16  }
0x16f: {  	v20 =	vor.u32 v2, v17;
	_ =	sdelay $0x1  }
0x170: {  	v18 =	vmul.f32 $8.000000000e+00, v18;
	_ =	sdelay $0x1  }
0x171: {  	[tilespmem:v19+s14+$0x0] =	vst.idx.msk $0xffff, v18  }
0x172: {  	v18 =	vld.idx.msk [tilespmem:v20+s11+$0x0], $0xffff;
	_ =	sdelay $0x1  }
0x173: {  	v19 =	vor.u32 v3, v16  }
0x174: {  	v20 =	vor.u32 v4, v17;
	_ =	sdelay $0x1  }
0x175: {  	v18 =	vmul.f32 $8.000000000e+00, v18;
	_ =	sdelay $0x1  }
0x176: {  	[tilespmem:v19+s14+$0x0] =	vst.idx.msk $0xffff, v18  }
0x177: {  	v18 =	vld.idx.msk [tilespmem:v20+s11+$0x0], $0xffff;
	_ =	sdelay $0x1  }
0x178: {  	v19 =	vor.u32 v5, v16  }
0x179: {  	v20 =	vor.u32 v6, v17;
	_ =	sdelay $0x1  }
0x17a: {  	v18 =	vmul.f32 $8.000000000e+00, v18;
	_ =	sdelay $0x1  }
0x17b: {  	[tilespmem:v19+s14+$0x0] =	vst.idx.msk $0xffff, v18  }
0x17c: {  	v18 =	vld.idx.msk [tilespmem:v20+s11+$0x0], $0xffff;
	_ =	sdelay $0x1  }
0x17d: {  	v19 =	vor.u32 v7, v16  }
0x17e: {  	v20 =	vor.u32 v8, v17;
	_ =	sdelay $0x1  }
0x17f: {  	v18 =	vmul.f32 $8.000000000e+00, v18;
	_ =	sdelay $0x1  }
0x180: {  	[tilespmem:v19+s14+$0x0] =	vst.idx.msk $0xffff, v18  }
0x181: {  	v18 =	vld.idx.msk [tilespmem:v20+s11+$0x0], $0xffff;
	_ =	sdelay $0x1  }
0x182: {  	v19 =	vor.u32 v9, v16  }
0x183: {  	v20 =	vor.u32 v10, v17;
	_ =	sdelay $0x1  }
0x184: {  	v18 =	vmul.f32 $8.000000000e+00, v18;
	_ =	sdelay $0x1  }
0x185: {  	[tilespmem:v19+s14+$0x0] =	vst.idx.msk $0xffff, v18  }
0x186: {  	v18 =	vld.idx.msk [tilespmem:v20+s11+$0x0], $0xffff;
	_ =	sdelay $0x1  }
0x187: {  	v19 =	vor.u32 v11, v16  }
0x188: {  	v20 =	vor.u32 v12, v17;
	_ =	sdelay $0x1  }
0x189: {  	v18 =	vmul.f32 $8.000000000e+00, v18;
	_ =	sdelay $0x1  }
0x18a: {  	[tilespmem:v19+s14+$0x0] =	vst.idx.msk $0xffff, v18  }
0x18b: {  	v18 =	vld.idx.msk [tilespmem:v20+s11+$0x0], $0xffff;
	_ =	sdelay $0x1  }
0x18c: {  	v19 =	vor.u32 v13, v16  }
0x18d: {  	v17 =	vor.u32 v14, v17;
	_ =	sdelay $0x1  }
0x18e: {  	v18 =	vmul.f32 $8.000000000e+00, v18;
	_ =	sdelay $0x1  }
0x18f: {  	[tilespmem:v19+s14+$0x0] =	vst.idx.msk $0xffff, v18  }
0x190: {  	s25 =	sadd.s32 $0x1, s24;
	v17 =	vld.idx.msk [tilespmem:v17+s11+$0x0], $0xffff  }
0x191: {  	v18 =	vadd.s32 s25, v0  }
0x192: {  	v16 =	vor.u32 v15, v16;
	v19 =	vand.u32 $0x3F, v18  }
0x193: {  	v20 =	vor.u32 v1, v19;
	_ =	sdelay $0x1  }
0x194: {  	v17 =	vmul.f32 $8.000000000e+00, v17;
	_ =	sdelay $0x1  }
0x195: {  	[tilespmem:v16+s14+$0x0] =	vst.idx.msk $0xffff, v17  }
0x196: {  	v16 =	vshll.u32 v18, $0x7;
	v17 =	vld.idx.msk [tilespmem:v20+s11+$0x0], $0xffff  }
0x197: {  	v16 =	vand.u32 $0x1F80, v16  }
0x198: {  	v18 =	vor.u32 v0, v16  }
0x199: {  	v20 =	vor.u32 v2, v19;
	_ =	sdelay $0x1  }
0x19a: {  	v17 =	vmul.f32 $8.000000000e+00, v17;
	_ =	sdelay $0x1  }
0x19b: {  	[tilespmem:v18+s14+$0x0] =	vst.idx.msk $0xffff, v17  }
0x19c: {  	v17 =	vld.idx.msk [tilespmem:v20+s11+$0x0], $0xffff;
	_ =	sdelay $0x1  }
0x19d: {  	v18 =	vor.u32 v3, v16  }
0x19e: {  	v20 =	vor.u32 v4, v19;
	_ =	sdelay $0x1  }
0x19f: {  	v17 =	vmul.f32 $8.000000000e+00, v17;
	_ =	sdelay $0x1  }
0x1a0: {  	[tilespmem:v18+s14+$0x0] =	vst.idx.msk $0xffff, v17  }
0x1a1: {  	v17 =	vld.idx.msk [tilespmem:v20+s11+$0x0], $0xffff;
	_ =	sdelay $0x1  }
0x1a2: {  	v18 =	vor.u32 v5, v16  }
0x1a3: {  	v20 =	vor.u32 v6, v19;
	_ =	sdelay $0x1  }
0x1a4: {  	v17 =	vmul.f32 $8.000000000e+00, v17;
	_ =	sdelay $0x1  }
0x1a5: {  	[tilespmem:v18+s14+$0x0] =	vst.idx.msk $0xffff, v17  }
0x1a6: {  	v17 =	vld.idx.msk [tilespmem:v20+s11+$0x0], $0xffff;
	_ =	sdelay $0x1  }
0x1a7: {  	v18 =	vor.u32 v7, v16  }
0x1a8: {  	v20 =	vor.u32 v8, v19;
	_ =	sdelay $0x1  }
0x1a9: {  	v17 =	vmul.f32 $8.000000000e+00, v17;
	_ =	sdelay $0x1  }
0x1aa: {  	[tilespmem:v18+s14+$0x0] =	vst.idx.msk $0xffff, v17  }
0x1ab: {  	v17 =	vld.idx.msk [tilespmem:v20+s11+$0x0], $0xffff;
	_ =	sdelay $0x1  }
0x1ac: {  	v18 =	vor.u32 v9, v16  }
0x1ad: {  	v20 =	vor.u32 v10, v19;
	_ =	sdelay $0x1  }
0x1ae: {  	v17 =	vmul.f32 $8.000000000e+00, v17;
	_ =	sdelay $0x1  }
0x1af: {  	[tilespmem:v18+s14+$0x0] =	vst.idx.msk $0xffff, v17  }
0x1b0: {  	v17 =	vld.idx.msk [tilespmem:v20+s11+$0x0], $0xffff;
	_ =	sdelay $0x1  }
0x1b1: {  	v18 =	vor.u32 v11, v16  }
0x1b2: {  	v20 =	vor.u32 v12, v19;
	_ =	sdelay $0x1  }
0x1b3: {  	v17 =	vmul.f32 $8.000000000e+00, v17;
	_ =	sdelay $0x1  }
0x1b4: {  	[tilespmem:v18+s14+$0x0] =	vst.idx.msk $0xffff, v17  }
0x1b5: {  	v17 =	vld.idx.msk [tilespmem:v20+s11+$0x0], $0xffff;
	_ =	sdelay $0x1  }
0x1b6: {  	v18 =	vor.u32 v13, v16  }
0x1b7: {  	v19 =	vor.u32 v14, v19;
	_ =	sdelay $0x1  }
0x1b8: {  	v17 =	vmul.f32 $8.000000000e+00, v17;
	_ =	sdelay $0x1  }
0x1b9: {  	[tilespmem:v18+s14+$0x0] =	vst.idx.msk $0xffff, v17  }
0x1ba: {  	s31 =	sadd.s32 $0x2, s24;
	v17 =	vld.idx.msk [tilespmem:v19+s11+$0x0], $0xffff  }
0x1bb: {  	v18 =	vadd.s32 s31, v0  }
0x1bc: {  	v16 =	vor.u32 v15, v16;
	v19 =	vand.u32 $0x3F, v18  }
0x1bd: {  	v20 =	vor.u32 v1, v19;
	_ =	sdelay $0x1  }
0x1be: {  	v17 =	vmul.f32 $8.000000000e+00, v17;
	_ =	sdelay $0x1  }
0x1bf: {  	[tilespmem:v16+s14+$0x0] =	vst.idx.msk $0xffff, v17  }
0x1c0: {  	v16 =	vshll.u32 v18, $0x7;
	v17 =	vld.idx.msk [tilespmem:v20+s11+$0x0], $0xffff  }
0x1c1: {  	v16 =	vand.u32 $0x1F80, v16  }
0x1c2: {  	v18 =	vor.u32 v0, v16  }
0x1c3: {  	v20 =	vor.u32 v2, v19;
	_ =	sdelay $0x1  }
0x1c4: {  	v17 =	vmul.f32 $8.000000000e+00, v17;
	_ =	sdelay $0x1  }
0x1c5: {  	[tilespmem:v18+s14+$0x0] =	vst.idx.msk $0xffff, v17  }
0x1c6: {  	v17 =	vld.idx.msk [tilespmem:v20+s11+$0x0], $0xffff;
	_ =	sdelay $0x1  }
0x1c7: {  	v18 =	vor.u32 v3, v16  }
0x1c8: {  	v20 =	vor.u32 v4, v19;
	_ =	sdelay $0x1  }
0x1c9: {  	v17 =	vmul.f32 $8.000000000e+00, v17;
	_ =	sdelay $0x1  }
0x1ca: {  	[tilespmem:v18+s14+$0x0] =	vst.idx.msk $0xffff, v17  }
0x1cb: {  	v17 =	vld.idx.msk [tilespmem:v20+s11+$0x0], $0xffff;
	_ =	sdelay $0x1  }
0x1cc: {  	v18 =	vor.u32 v5, v16  }
0x1cd: {  	v20 =	vor.u32 v6, v19;
	_ =	sdelay $0x1  }
0x1ce: {  	v17 =	vmul.f32 $8.000000000e+00, v17;
	_ =	sdelay $0x1  }
0x1cf: {  	[tilespmem:v18+s14+$0x0] =	vst.idx.msk $0xffff, v17  }
0x1d0: {  	v17 =	vld.idx.msk [tilespmem:v20+s11+$0x0], $0xffff;
	_ =	sdelay $0x1  }
0x1d1: {  	v18 =	vor.u32 v7, v16  }
0x1d2: {  	v20 =	vor.u32 v8, v19;
	_ =	sdelay $0x1  }
0x1d3: {  	v17 =	vmul.f32 $8.000000000e+00, v17;
	_ =	sdelay $0x1  }
0x1d4: {  	[tilespmem:v18+s14+$0x0] =	vst.idx.msk $0xffff, v17  }
0x1d5: {  	v17 =	vld.idx.msk [tilespmem:v20+s11+$0x0], $0xffff;
	_ =	sdelay $0x1  }
0x1d6: {  	v18 =	vor.u32 v9, v16  }
0x1d7: {  	v20 =	vor.u32 v10, v19;
	_ =	sdelay $0x1  }
0x1d8: {  	v17 =	vmul.f32 $8.000000000e+00, v17;
	_ =	sdelay $0x1  }
0x1d9: {  	[tilespmem:v18+s14+$0x0] =	vst.idx.msk $0xffff, v17  }
0x1da: {  	v17 =	vld.idx.msk [tilespmem:v20+s11+$0x0], $0xffff;
	_ =	sdelay $0x1  }
0x1db: {  	v18 =	vor.u32 v11, v16  }
0x1dc: {  	v20 =	vor.u32 v12, v19;
	_ =	sdelay $0x1  }
0x1dd: {  	v17 =	vmul.f32 $8.000000000e+00, v17;
	_ =	sdelay $0x1  }
0x1de: {  	[tilespmem:v18+s14+$0x0] =	vst.idx.msk $0xffff, v17  }
0x1df: {  	v17 =	vld.idx.msk [tilespmem:v20+s11+$0x0], $0xffff;
	_ =	sdelay $0x1  }
0x1e0: {  	v18 =	vor.u32 v13, v16  }
0x1e1: {  	v19 =	vor.u32 v14, v19;
	_ =	sdelay $0x1  }
0x1e2: {  	v17 =	vmul.f32 $8.000000000e+00, v17;
	_ =	sdelay $0x1  }
0x1e3: {  	[tilespmem:v18+s14+$0x0] =	vst.idx.msk $0xffff, v17  }
0x1e4: {  	s25 =	sadd.s32 $0x3, s24;
	v17 =	vld.idx.msk [tilespmem:v19+s11+$0x0], $0xffff  }
0x1e5: {  	v18 =	vadd.s32 s25, v0  }
0x1e6: {  	v16 =	vor.u32 v15, v16;
	v19 =	vand.u32 $0x3F, v18  }
0x1e7: {  	v20 =	vor.u32 v1, v19;
	_ =	sdelay $0x1  }
0x1e8: {  	v17 =	vmul.f32 $8.000000000e+00, v17;
	_ =	sdelay $0x1  }
0x1e9: {  	[tilespmem:v16+s14+$0x0] =	vst.idx.msk $0xffff, v17  }
0x1ea: {  	v16 =	vshll.u32 v18, $0x7;
	v17 =	vld.idx.msk [tilespmem:v20+s11+$0x0], $0xffff  }
0x1eb: {  	v16 =	vand.u32 $0x1F80, v16  }
0x1ec: {  	v18 =	vor.u32 v0, v16  }
0x1ed: {  	v20 =	vor.u32 v2, v19;
	_ =	sdelay $0x1  }
0x1ee: {  	v17 =	vmul.f32 $8.000000000e+00, v17;
	_ =	sdelay $0x1  }
0x1ef: {  	[tilespmem:v18+s14+$0x0] =	vst.idx.msk $0xffff, v17  }
0x1f0: {  	v17 =	vld.idx.msk [tilespmem:v20+s11+$0x0], $0xffff;
	_ =	sdelay $0x1  }
0x1f1: {  	v18 =	vor.u32 v3, v16  }
0x1f2: {  	v20 =	vor.u32 v4, v19;
	_ =	sdelay $0x1  }
0x1f3: {  	v17 =	vmul.f32 $8.000000000e+00, v17;
	_ =	sdelay $0x1  }
0x1f4: {  	[tilespmem:v18+s14+$0x0] =	vst.idx.msk $0xffff, v17  }
0x1f5: {  	v17 =	vld.idx.msk [tilespmem:v20+s11+$0x0], $0xffff;
	_ =	sdelay $0x1  }
0x1f6: {  	v18 =	vor.u32 v5, v16  }
0x1f7: {  	v20 =	vor.u32 v6, v19;
	_ =	sdelay $0x1  }
0x1f8: {  	v17 =	vmul.f32 $8.000000000e+00, v17;
	_ =	sdelay $0x1  }
0x1f9: {  	[tilespmem:v18+s14+$0x0] =	vst.idx.msk $0xffff, v17  }
0x1fa: {  	v17 =	vld.idx.msk [tilespmem:v20+s11+$0x0], $0xffff;
	_ =	sdelay $0x1  }
0x1fb: {  	v18 =	vor.u32 v7, v16  }
0x1fc: {  	v20 =	vor.u32 v8, v19;
	_ =	sdelay $0x1  }
0x1fd: {  	v17 =	vmul.f32 $8.000000000e+00, v17;
	_ =	sdelay $0x1  }
0x1fe: {  	[tilespmem:v18+s14+$0x0] =	vst.idx.msk $0xffff, v17  }
0x1ff: {  	v17 =	vld.idx.msk [tilespmem:v20+s11+$0x0], $0xffff;
	_ =	sdelay $0x1  }
0x200: {  	v18 =	vor.u32 v9, v16  }
0x201: {  	v20 =	vor.u32 v10, v19;
	_ =	sdelay $0x1  }
0x202: {  	v17 =	vmul.f32 $8.000000000e+00, v17;
	_ =	sdelay $0x1  }
0x203: {  	[tilespmem:v18+s14+$0x0] =	vst.idx.msk $0xffff, v17  }
0x204: {  	v17 =	vld.idx.msk [tilespmem:v20+s11+$0x0], $0xffff;
	_ =	sdelay $0x1  }
0x205: {  	v18 =	vor.u32 v11, v16  }
0x206: {  	v20 =	vor.u32 v12, v19;
	_ =	sdelay $0x1  }
0x207: {  	v17 =	vmul.f32 $8.000000000e+00, v17;
	_ =	sdelay $0x1  }
0x208: {  	[tilespmem:v18+s14+$0x0] =	vst.idx.msk $0xffff, v17  }
0x209: {  	v17 =	vld.idx.msk [tilespmem:v20+s11+$0x0], $0xffff;
	_ =	sdelay $0x1  }
0x20a: {  	v18 =	vor.u32 v13, v16  }
0x20b: {  	v19 =	vor.u32 v14, v19;
	_ =	sdelay $0x1  }
0x20c: {  	v17 =	vmul.f32 $8.000000000e+00, v17;
	_ =	sdelay $0x1  }
0x20d: {  	[tilespmem:v18+s14+$0x0] =	vst.idx.msk $0xffff, v17  }
0x20e: {  	v17 =	vld.idx.msk [tilespmem:v19+s11+$0x0], $0xffff;
	_ =	sdelay $0x1  }
0x20f: {  	v16 =	vor.u32 v15, v16;
	_ =	sdelay $0x1  }
0x210: {  	s26 =	sshll.u32 s22, $0x13  }
0x211: {  	s24 =	sor.u32 s6, s26;
	v17 =	vmul.f32 $8.000000000e+00, v17  }
0x212: {  	s24 =	sshrl.u32 s24, $0x3  }
0x213: {  	p0 =	seq.s32 s22, $0x63;
	s24 =	sadd.s32 s2, s24;
	[tilespmem:v16+s14+$0x0] =	vst.idx.msk $0xffff, v17  }
0x214: {  	[hbm4b:s24+s15] =	stream.strided.scatter [tilespmem:s14], [sflag:$0x3], $0x2000, s16, s15, $0x38;
	[tilespmem:$0x12400] =	vst v63  }
0x215: {  	s24 =	simm.s32 @!p0 $0x3  }
0x216: {  	s28 =	simm.s32 $0x0;
	_ =	swait.ge @!p0 [sflag:s24], $0x2000  }
0x217: {  	s26 =	sshll.u32 @!p0 s22, $0x8;
	v16 =	vadd.s32 s28, v0;
	[sflag:s24] =	ssyncset.done @!p0 $0x0  }
0x218: {  	v17 =	vand.u32 $0x3F, v16;
	[sflag:s24] =	ssyncadd.s32 @!p0 $0xFFFFE000;
	s24 =	sand.u32 @!p0 $0x3FFFFF00, s26  }
0x219: {  	s25 =	simm.s32 @!p0 $0x80;
	v18 =	vor.u32 v1, v17;
	s26 =	simm.s32 @!p0 $0x6400;
	s24 =	sadd.s32 @!p0 $0x100, s24  }
0x21a: {  	[tilespmem:s26], [sflag:$0x1] =	stream.indirect.gather @!p0 [hbm4b:s4+s25], $0x80, s24, s25, $0xb8;
	[tilespmem:$0x12400] =	vst v63  }
0x21b: {  	_ =	swait.ge [sflag:s17], $0x4000  }
0x21c: {  	[sflag:s17] =	ssyncset.done $0x0  }
0x21d: {  	[sflag:s17] =	ssyncadd.s32 $0xFFFFC000  }
0x21e: {  	v16 =	vshll.u32 v16, $0x7;
	v18 =	vld.idx.msk [tilespmem:v18+s12+$0x0], $0xffff  }
0x21f: {  	v16 =	vand.u32 $0x1F80, v16  }
0x220: {  	v19 =	vor.u32 v0, v16  }
0x221: {  	v20 =	vor.u32 v2, v17;
	_ =	sdelay $0x1  }
0x222: {  	v18 =	vmul.f32 $8.000000000e+00, v18;
	_ =	sdelay $0x1  }
0x223: {  	[tilespmem:v19+s18+$0x0] =	vst.idx.msk $0xffff, v18  }
0x224: {  	v18 =	vld.idx.msk [tilespmem:v20+s12+$0x0], $0xffff;
	_ =	sdelay $0x1  }
0x225: {  	v19 =	vor.u32 v3, v16  }
0x226: {  	v20 =	vor.u32 v4, v17;
	_ =	sdelay $0x1  }
0x227: {  	v18 =	vmul.f32 $8.000000000e+00, v18;
	_ =	sdelay $0x1  }
0x228: {  	[tilespmem:v19+s18+$0x0] =	vst.idx.msk $0xffff, v18  }
0x229: {  	v18 =	vld.idx.msk [tilespmem:v20+s12+$0x0], $0xffff;
	_ =	sdelay $0x1  }
0x22a: {  	v19 =	vor.u32 v5, v16  }
0x22b: {  	v20 =	vor.u32 v6, v17;
	_ =	sdelay $0x1  }
0x22c: {  	v18 =	vmul.f32 $8.000000000e+00, v18;
	_ =	sdelay $0x1  }
0x22d: {  	[tilespmem:v19+s18+$0x0] =	vst.idx.msk $0xffff, v18  }
0x22e: {  	v18 =	vld.idx.msk [tilespmem:v20+s12+$0x0], $0xffff;
	_ =	sdelay $0x1  }
0x22f: {  	v19 =	vor.u32 v7, v16  }
0x230: {  	v20 =	vor.u32 v8, v17;
	_ =	sdelay $0x1  }
0x231: {  	v18 =	vmul.f32 $8.000000000e+00, v18;
	_ =	sdelay $0x1  }
0x232: {  	[tilespmem:v19+s18+$0x0] =	vst.idx.msk $0xffff, v18  }
0x233: {  	v18 =	vld.idx.msk [tilespmem:v20+s12+$0x0], $0xffff;
	_ =	sdelay $0x1  }
0x234: {  	v19 =	vor.u32 v9, v16  }
0x235: {  	v20 =	vor.u32 v10, v17;
	_ =	sdelay $0x1  }
0x236: {  	v18 =	vmul.f32 $8.000000000e+00, v18;
	_ =	sdelay $0x1  }
0x237: {  	[tilespmem:v19+s18+$0x0] =	vst.idx.msk $0xffff, v18  }
0x238: {  	v18 =	vld.idx.msk [tilespmem:v20+s12+$0x0], $0xffff;
	_ =	sdelay $0x1  }
0x239: {  	v19 =	vor.u32 v11, v16  }
0x23a: {  	v20 =	vor.u32 v12, v17;
	_ =	sdelay $0x1  }
0x23b: {  	v18 =	vmul.f32 $8.000000000e+00, v18;
	_ =	sdelay $0x1  }
0x23c: {  	[tilespmem:v19+s18+$0x0] =	vst.idx.msk $0xffff, v18  }
0x23d: {  	v18 =	vld.idx.msk [tilespmem:v20+s12+$0x0], $0xffff;
	_ =	sdelay $0x1  }
0x23e: {  	v19 =	vor.u32 v13, v16  }
0x23f: {  	v17 =	vor.u32 v14, v17;
	_ =	sdelay $0x1  }
0x240: {  	v18 =	vmul.f32 $8.000000000e+00, v18;
	_ =	sdelay $0x1  }
0x241: {  	[tilespmem:v19+s18+$0x0] =	vst.idx.msk $0xffff, v18  }
0x242: {  	s29 =	simm.s32 $0x1;
	v17 =	vld.idx.msk [tilespmem:v17+s12+$0x0], $0xffff  }
0x243: {  	v18 =	vadd.s32 s29, v0  }
0x244: {  	v16 =	vor.u32 v15, v16;
	v19 =	vand.u32 $0x3F, v18  }
0x245: {  	v20 =	vor.u32 v1, v19;
	_ =	sdelay $0x1  }
0x246: {  	v17 =	vmul.f32 $8.000000000e+00, v17;
	_ =	sdelay $0x1  }
0x247: {  	[tilespmem:v16+s18+$0x0] =	vst.idx.msk $0xffff, v17  }
0x248: {  	v16 =	vshll.u32 v18, $0x7;
	v17 =	vld.idx.msk [tilespmem:v20+s12+$0x0], $0xffff  }
0x249: {  	v16 =	vand.u32 $0x1F80, v16  }
0x24a: {  	v18 =	vor.u32 v0, v16  }
0x24b: {  	v20 =	vor.u32 v2, v19;
	_ =	sdelay $0x1  }
0x24c: {  	v17 =	vmul.f32 $8.000000000e+00, v17;
	_ =	sdelay $0x1  }
0x24d: {  	[tilespmem:v18+s18+$0x0] =	vst.idx.msk $0xffff, v17  }
0x24e: {  	v17 =	vld.idx.msk [tilespmem:v20+s12+$0x0], $0xffff;
	_ =	sdelay $0x1  }
0x24f: {  	v18 =	vor.u32 v3, v16  }
0x250: {  	v20 =	vor.u32 v4, v19;
	_ =	sdelay $0x1  }
0x251: {  	v17 =	vmul.f32 $8.000000000e+00, v17;
	_ =	sdelay $0x1  }
0x252: {  	[tilespmem:v18+s18+$0x0] =	vst.idx.msk $0xffff, v17  }
0x253: {  	v17 =	vld.idx.msk [tilespmem:v20+s12+$0x0], $0xffff;
	_ =	sdelay $0x1  }
0x254: {  	v18 =	vor.u32 v5, v16  }
0x255: {  	v20 =	vor.u32 v6, v19;
	_ =	sdelay $0x1  }
0x256: {  	v17 =	vmul.f32 $8.000000000e+00, v17;
	_ =	sdelay $0x1  }
0x257: {  	[tilespmem:v18+s18+$0x0] =	vst.idx.msk $0xffff, v17  }
0x258: {  	v17 =	vld.idx.msk [tilespmem:v20+s12+$0x0], $0xffff;
	_ =	sdelay $0x1  }
0x259: {  	v18 =	vor.u32 v7, v16  }
0x25a: {  	v20 =	vor.u32 v8, v19;
	_ =	sdelay $0x1  }
0x25b: {  	v17 =	vmul.f32 $8.000000000e+00, v17;
	_ =	sdelay $0x1  }
0x25c: {  	[tilespmem:v18+s18+$0x0] =	vst.idx.msk $0xffff, v17  }
0x25d: {  	v17 =	vld.idx.msk [tilespmem:v20+s12+$0x0], $0xffff;
	_ =	sdelay $0x1  }
0x25e: {  	v18 =	vor.u32 v9, v16  }
0x25f: {  	v20 =	vor.u32 v10, v19;
	_ =	sdelay $0x1  }
0x260: {  	v17 =	vmul.f32 $8.000000000e+00, v17;
	_ =	sdelay $0x1  }
0x261: {  	[tilespmem:v18+s18+$0x0] =	vst.idx.msk $0xffff, v17  }
0x262: {  	v17 =	vld.idx.msk [tilespmem:v20+s12+$0x0], $0xffff;
	_ =	sdelay $0x1  }
0x263: {  	v18 =	vor.u32 v11, v16  }
0x264: {  	v20 =	vor.u32 v12, v19;
	_ =	sdelay $0x1  }
0x265: {  	v17 =	vmul.f32 $8.000000000e+00, v17;
	_ =	sdelay $0x1  }
0x266: {  	[tilespmem:v18+s18+$0x0] =	vst.idx.msk $0xffff, v17  }
0x267: {  	v17 =	vld.idx.msk [tilespmem:v20+s12+$0x0], $0xffff;
	_ =	sdelay $0x1  }
0x268: {  	v18 =	vor.u32 v13, v16  }
0x269: {  	v19 =	vor.u32 v14, v19;
	_ =	sdelay $0x1  }
0x26a: {  	v17 =	vmul.f32 $8.000000000e+00, v17;
	_ =	sdelay $0x1  }
0x26b: {  	[tilespmem:v18+s18+$0x0] =	vst.idx.msk $0xffff, v17  }
0x26c: {  	s30 =	simm.s32 $0x2;
	v17 =	vld.idx.msk [tilespmem:v19+s12+$0x0], $0xffff  }
0x26d: {  	v18 =	vadd.s32 s30, v0  }
0x26e: {  	v16 =	vor.u32 v15, v16;
	v19 =	vand.u32 $0x3F, v18  }
0x26f: {  	v20 =	vor.u32 v1, v19;
	_ =	sdelay $0x1  }
0x270: {  	v17 =	vmul.f32 $8.000000000e+00, v17;
	_ =	sdelay $0x1  }
0x271: {  	[tilespmem:v16+s18+$0x0] =	vst.idx.msk $0xffff, v17  }
0x272: {  	v16 =	vshll.u32 v18, $0x7;
	v17 =	vld.idx.msk [tilespmem:v20+s12+$0x0], $0xffff  }
0x273: {  	v16 =	vand.u32 $0x1F80, v16  }
0x274: {  	v18 =	vor.u32 v0, v16  }
0x275: {  	v20 =	vor.u32 v2, v19;
	_ =	sdelay $0x1  }
0x276: {  	v17 =	vmul.f32 $8.000000000e+00, v17;
	_ =	sdelay $0x1  }
0x277: {  	[tilespmem:v18+s18+$0x0] =	vst.idx.msk $0xffff, v17  }
0x278: {  	v17 =	vld.idx.msk [tilespmem:v20+s12+$0x0], $0xffff;
	_ =	sdelay $0x1  }
0x279: {  	v18 =	vor.u32 v3, v16  }
0x27a: {  	v20 =	vor.u32 v4, v19;
	_ =	sdelay $0x1  }
0x27b: {  	v17 =	vmul.f32 $8.000000000e+00, v17;
	_ =	sdelay $0x1  }
0x27c: {  	[tilespmem:v18+s18+$0x0] =	vst.idx.msk $0xffff, v17  }
0x27d: {  	v17 =	vld.idx.msk [tilespmem:v20+s12+$0x0], $0xffff;
	_ =	sdelay $0x1  }
0x27e: {  	v18 =	vor.u32 v5, v16  }
0x27f: {  	v20 =	vor.u32 v6, v19;
	_ =	sdelay $0x1  }
0x280: {  	v17 =	vmul.f32 $8.000000000e+00, v17;
	_ =	sdelay $0x1  }
0x281: {  	[tilespmem:v18+s18+$0x0] =	vst.idx.msk $0xffff, v17  }
0x282: {  	v17 =	vld.idx.msk [tilespmem:v20+s12+$0x0], $0xffff;
	_ =	sdelay $0x1  }
0x283: {  	v18 =	vor.u32 v7, v16  }
0x284: {  	v20 =	vor.u32 v8, v19;
	_ =	sdelay $0x1  }
0x285: {  	v17 =	vmul.f32 $8.000000000e+00, v17;
	_ =	sdelay $0x1  }
0x286: {  	[tilespmem:v18+s18+$0x0] =	vst.idx.msk $0xffff, v17  }
0x287: {  	v17 =	vld.idx.msk [tilespmem:v20+s12+$0x0], $0xffff;
	_ =	sdelay $0x1  }
0x288: {  	v18 =	vor.u32 v9, v16  }
0x289: {  	v20 =	vor.u32 v10, v19;
	_ =	sdelay $0x1  }
0x28a: {  	v17 =	vmul.f32 $8.000000000e+00, v17;
	_ =	sdelay $0x1  }
0x28b: {  	[tilespmem:v18+s18+$0x0] =	vst.idx.msk $0xffff, v17  }
0x28c: {  	v17 =	vld.idx.msk [tilespmem:v20+s12+$0x0], $0xffff;
	_ =	sdelay $0x1  }
0x28d: {  	v18 =	vor.u32 v11, v16  }
0x28e: {  	v20 =	vor.u32 v12, v19;
	_ =	sdelay $0x1  }
0x28f: {  	v17 =	vmul.f32 $8.000000000e+00, v17;
	_ =	sdelay $0x1  }
0x290: {  	[tilespmem:v18+s18+$0x0] =	vst.idx.msk $0xffff, v17  }
0x291: {  	v17 =	vld.idx.msk [tilespmem:v20+s12+$0x0], $0xffff;
	_ =	sdelay $0x1  }
0x292: {  	v18 =	vor.u32 v13, v16  }
0x293: {  	v19 =	vor.u32 v14, v19;
	_ =	sdelay $0x1  }
0x294: {  	v17 =	vmul.f32 $8.000000000e+00, v17;
	_ =	sdelay $0x1  }
0x295: {  	[tilespmem:v18+s18+$0x0] =	vst.idx.msk $0xffff, v17  }
0x296: {  	s31 =	simm.s32 $0x3;
	v17 =	vld.idx.msk [tilespmem:v19+s12+$0x0], $0xffff  }
0x297: {  	v18 =	vadd.s32 s31, v0  }
0x298: {  	v16 =	vor.u32 v15, v16;
	v19 =	vand.u32 $0x3F, v18  }
0x299: {  	v20 =	vor.u32 v1, v19;
	_ =	sdelay $0x1  }
0x29a: {  	v17 =	vmul.f32 $8.000000000e+00, v17;
	_ =	sdelay $0x1  }
0x29b: {  	[tilespmem:v16+s18+$0x0] =	vst.idx.msk $0xffff, v17  }
0x29c: {  	v16 =	vshll.u32 v18, $0x7;
	v17 =	vld.idx.msk [tilespmem:v20+s12+$0x0], $0xffff  }
0x29d: {  	v16 =	vand.u32 $0x1F80, v16  }
0x29e: {  	v18 =	vor.u32 v0, v16  }
0x29f: {  	v20 =	vor.u32 v2, v19;
	_ =	sdelay $0x1  }
0x2a0: {  	v17 =	vmul.f32 $8.000000000e+00, v17;
	_ =	sdelay $0x1  }
0x2a1: {  	[tilespmem:v18+s18+$0x0] =	vst.idx.msk $0xffff, v17  }
0x2a2: {  	v17 =	vld.idx.msk [tilespmem:v20+s12+$0x0], $0xffff;
	_ =	sdelay $0x1  }
0x2a3: {  	v18 =	vor.u32 v3, v16  }
0x2a4: {  	v20 =	vor.u32 v4, v19;
	_ =	sdelay $0x1  }
0x2a5: {  	v17 =	vmul.f32 $8.000000000e+00, v17;
	_ =	sdelay $0x1  }
0x2a6: {  	[tilespmem:v18+s18+$0x0] =	vst.idx.msk $0xffff, v17  }
0x2a7: {  	v17 =	vld.idx.msk [tilespmem:v20+s12+$0x0], $0xffff;
	_ =	sdelay $0x1  }
0x2a8: {  	v18 =	vor.u32 v5, v16  }
0x2a9: {  	v20 =	vor.u32 v6, v19;
	_ =	sdelay $0x1  }
0x2aa: {  	v17 =	vmul.f32 $8.000000000e+00, v17;
	_ =	sdelay $0x1  }
0x2ab: {  	[tilespmem:v18+s18+$0x0] =	vst.idx.msk $0xffff, v17  }
0x2ac: {  	v17 =	vld.idx.msk [tilespmem:v20+s12+$0x0], $0xffff;
	_ =	sdelay $0x1  }
0x2ad: {  	v18 =	vor.u32 v7, v16  }
0x2ae: {  	v20 =	vor.u32 v8, v19;
	_ =	sdelay $0x1  }
0x2af: {  	v17 =	vmul.f32 $8.000000000e+00, v17;
	_ =	sdelay $0x1  }
0x2b0: {  	[tilespmem:v18+s18+$0x0] =	vst.idx.msk $0xffff, v17  }
0x2b1: {  	v17 =	vld.idx.msk [tilespmem:v20+s12+$0x0], $0xffff;
	_ =	sdelay $0x1  }
0x2b2: {  	v18 =	vor.u32 v9, v16  }
0x2b3: {  	v20 =	vor.u32 v10, v19;
	_ =	sdelay $0x1  }
0x2b4: {  	v17 =	vmul.f32 $8.000000000e+00, v17;
	_ =	sdelay $0x1  }
0x2b5: {  	[tilespmem:v18+s18+$0x0] =	vst.idx.msk $0xffff, v17  }
0x2b6: {  	v17 =	vld.idx.msk [tilespmem:v20+s12+$0x0], $0xffff;
	_ =	sdelay $0x1  }
0x2b7: {  	v18 =	vor.u32 v11, v16  }
0x2b8: {  	v20 =	vor.u32 v12, v19;
	_ =	sdelay $0x1  }
0x2b9: {  	v17 =	vmul.f32 $8.000000000e+00, v17;
	_ =	sdelay $0x1  }
0x2ba: {  	[tilespmem:v18+s18+$0x0] =	vst.idx.msk $0xffff, v17  }
0x2bb: {  	v17 =	vld.idx.msk [tilespmem:v20+s12+$0x0], $0xffff;
	_ =	sdelay $0x1  }
0x2bc: {  	v18 =	vor.u32 v13, v16  }
0x2bd: {  	v19 =	vor.u32 v14, v19;
	_ =	sdelay $0x1  }
0x2be: {  	v17 =	vmul.f32 $8.000000000e+00, v17;
	_ =	sdelay $0x1  }
0x2bf: {  	[tilespmem:v18+s18+$0x0] =	vst.idx.msk $0xffff, v17  }
0x2c0: {  	s24 =	simm.s32 $0x4;
	v20 =	vld.idx.msk [tilespmem:v19+s12+$0x0], $0xffff  }
0x2c1: {  	v18 =	vadd.s32 s24, v0  }
0x2c2: {  	v17 =	vand.u32 $0x3F, v18;
	v19 =	vor.u32 v15, v16  }
0x2c3: {  	v21 =	vshll.u32 v18, $0x7;
	v18 =	vor.u32 v1, v17;
	_ =	sdelay $0x1  }
0x2c4: {  	s25 =	simm.s32 $0x8;
	v16 =	vand.u32 $0x1F80, v21;
	v20 =	vmul.f32 $8.000000000e+00, v20  }
.LBB2_5:
0x2c5: {  	_ = 	snop  }
0x2c6: {  	p0 =	slt.u32 s25, $0x3C;
	s26 =	smov.u32 s25;
	s25 =	sadd.s32 $0x4, s25;
	[tilespmem:v19+s18+$0x0] =	vst.idx.msk $0xffff, v20  }
0x2c7: {  	v18 =	vld.idx.msk [tilespmem:v18+s12+$0x0], $0xffff;
	_ =	sdelay $0x2  }
0x2c8: {  	v19 =	vor.u32 v0, v16  }
0x2c9: {  	v20 =	vor.u32 v2, v17;
	_ =	sdelay $0x1  }
0x2ca: {  	v18 =	vmul.f32 $8.000000000e+00, v18;
	_ =	sdelay $0x1  }
0x2cb: {  	[tilespmem:v19+s18+$0x0] =	vst.idx.msk $0xffff, v18  }
0x2cc: {  	v18 =	vld.idx.msk [tilespmem:v20+s12+$0x0], $0xffff;
	_ =	sdelay $0x2  }
0x2cd: {  	v19 =	vor.u32 v3, v16  }
0x2ce: {  	v20 =	vor.u32 v4, v17;
	_ =	sdelay $0x1  }
0x2cf: {  	v18 =	vmul.f32 $8.000000000e+00, v18;
	_ =	sdelay $0x1  }
0x2d0: {  	[tilespmem:v19+s18+$0x0] =	vst.idx.msk $0xffff, v18  }
0x2d1: {  	v18 =	vld.idx.msk [tilespmem:v20+s12+$0x0], $0xffff;
	_ =	sdelay $0x2  }
0x2d2: {  	v19 =	vor.u32 v5, v16  }
0x2d3: {  	v20 =	vor.u32 v6, v17;
	_ =	sdelay $0x1  }
0x2d4: {  	v18 =	vmul.f32 $8.000000000e+00, v18;
	_ =	sdelay $0x1  }
0x2d5: {  	[tilespmem:v19+s18+$0x0] =	vst.idx.msk $0xffff, v18  }
0x2d6: {  	v18 =	vld.idx.msk [tilespmem:v20+s12+$0x0], $0xffff;
	_ =	sdelay $0x2  }
0x2d7: {  	v19 =	vor.u32 v7, v16  }
0x2d8: {  	v20 =	vor.u32 v8, v17;
	_ =	sdelay $0x1  }
0x2d9: {  	v18 =	vmul.f32 $8.000000000e+00, v18;
	_ =	sdelay $0x1  }
0x2da: {  	[tilespmem:v19+s18+$0x0] =	vst.idx.msk $0xffff, v18  }
0x2db: {  	v18 =	vld.idx.msk [tilespmem:v20+s12+$0x0], $0xffff;
	_ =	sdelay $0x2  }
0x2dc: {  	v19 =	vor.u32 v9, v16  }
0x2dd: {  	v20 =	vor.u32 v10, v17;
	_ =	sdelay $0x1  }
0x2de: {  	v18 =	vmul.f32 $8.000000000e+00, v18;
	_ =	sdelay $0x1  }
0x2df: {  	[tilespmem:v19+s18+$0x0] =	vst.idx.msk $0xffff, v18  }
0x2e0: {  	v18 =	vld.idx.msk [tilespmem:v20+s12+$0x0], $0xffff;
	_ =	sdelay $0x2  }
0x2e1: {  	v19 =	vor.u32 v11, v16  }
0x2e2: {  	v20 =	vor.u32 v12, v17;
	_ =	sdelay $0x1  }
0x2e3: {  	v18 =	vmul.f32 $8.000000000e+00, v18;
	_ =	sdelay $0x1  }
0x2e4: {  	[tilespmem:v19+s18+$0x0] =	vst.idx.msk $0xffff, v18  }
0x2e5: {  	v18 =	vld.idx.msk [tilespmem:v20+s12+$0x0], $0xffff;
	_ =	sdelay $0x2  }
0x2e6: {  	v19 =	vor.u32 v13, v16  }
0x2e7: {  	v17 =	vor.u32 v14, v17;
	_ =	sdelay $0x1  }
0x2e8: {  	v18 =	vmul.f32 $8.000000000e+00, v18;
	_ =	sdelay $0x1  }
0x2e9: {  	[tilespmem:v19+s18+$0x0] =	vst.idx.msk $0xffff, v18  }
0x2ea: {  	v17 =	vld.idx.msk [tilespmem:v17+s12+$0x0], $0xffff  }
0x2eb: {  	s28 =	sadd.s32 $0x1, s24  }
0x2ec: {  	v18 =	vadd.s32 s28, v0  }
0x2ed: {  	v16 =	vor.u32 v15, v16;
	v19 =	vand.u32 $0x3F, v18;
	v18 =	vshll.u32 v18, $0x7  }
0x2ee: {  	v20 =	vor.u32 v1, v19;
	v18 =	vand.u32 $0x1F80, v18;
	_ =	sdelay $0x1  }
0x2ef: {  	v17 =	vmul.f32 $8.000000000e+00, v17;
	_ =	sdelay $0x1  }
0x2f0: {  	[tilespmem:v16+s18+$0x0] =	vst.idx.msk $0xffff, v17  }
0x2f1: {  	v16 =	vld.idx.msk [tilespmem:v20+s12+$0x0], $0xffff;
	_ =	sdelay $0x2  }
0x2f2: {  	v17 =	vor.u32 v0, v18  }
0x2f3: {  	v20 =	vor.u32 v2, v19;
	_ =	sdelay $0x1  }
0x2f4: {  	v16 =	vmul.f32 $8.000000000e+00, v16;
	_ =	sdelay $0x1  }
0x2f5: {  	[tilespmem:v17+s18+$0x0] =	vst.idx.msk $0xffff, v16  }
0x2f6: {  	v16 =	vld.idx.msk [tilespmem:v20+s12+$0x0], $0xffff;
	_ =	sdelay $0x2  }
0x2f7: {  	v17 =	vor.u32 v3, v18  }
0x2f8: {  	v20 =	vor.u32 v4, v19;
	_ =	sdelay $0x1  }
0x2f9: {  	v16 =	vmul.f32 $8.000000000e+00, v16;
	_ =	sdelay $0x1  }
0x2fa: {  	[tilespmem:v17+s18+$0x0] =	vst.idx.msk $0xffff, v16  }
0x2fb: {  	v16 =	vld.idx.msk [tilespmem:v20+s12+$0x0], $0xffff;
	_ =	sdelay $0x2  }
0x2fc: {  	v17 =	vor.u32 v5, v18  }
0x2fd: {  	v20 =	vor.u32 v6, v19;
	_ =	sdelay $0x1  }
0x2fe: {  	v16 =	vmul.f32 $8.000000000e+00, v16;
	_ =	sdelay $0x1  }
0x2ff: {  	[tilespmem:v17+s18+$0x0] =	vst.idx.msk $0xffff, v16  }
0x300: {  	v16 =	vld.idx.msk [tilespmem:v20+s12+$0x0], $0xffff;
	_ =	sdelay $0x2  }
0x301: {  	v17 =	vor.u32 v7, v18  }
0x302: {  	v20 =	vor.u32 v8, v19;
	_ =	sdelay $0x1  }
0x303: {  	v16 =	vmul.f32 $8.000000000e+00, v16;
	_ =	sdelay $0x1  }
0x304: {  	[tilespmem:v17+s18+$0x0] =	vst.idx.msk $0xffff, v16  }
0x305: {  	v16 =	vld.idx.msk [tilespmem:v20+s12+$0x0], $0xffff;
	_ =	sdelay $0x2  }
0x306: {  	v17 =	vor.u32 v9, v18  }
0x307: {  	v20 =	vor.u32 v10, v19;
	_ =	sdelay $0x1  }
0x308: {  	v16 =	vmul.f32 $8.000000000e+00, v16;
	_ =	sdelay $0x1  }
0x309: {  	[tilespmem:v17+s18+$0x0] =	vst.idx.msk $0xffff, v16  }
0x30a: {  	v16 =	vld.idx.msk [tilespmem:v20+s12+$0x0], $0xffff;
	_ =	sdelay $0x2  }
0x30b: {  	v17 =	vor.u32 v11, v18  }
0x30c: {  	v20 =	vor.u32 v12, v19;
	_ =	sdelay $0x1  }
0x30d: {  	v16 =	vmul.f32 $8.000000000e+00, v16;
	_ =	sdelay $0x1  }
0x30e: {  	[tilespmem:v17+s18+$0x0] =	vst.idx.msk $0xffff, v16  }
0x30f: {  	v16 =	vld.idx.msk [tilespmem:v20+s12+$0x0], $0xffff;
	_ =	sdelay $0x2  }
0x310: {  	v17 =	vor.u32 v13, v18  }
0x311: {  	v19 =	vor.u32 v14, v19;
	_ =	sdelay $0x1  }
0x312: {  	v16 =	vmul.f32 $8.000000000e+00, v16;
	_ =	sdelay $0x1  }
0x313: {  	[tilespmem:v17+s18+$0x0] =	vst.idx.msk $0xffff, v16  }
0x314: {  	v16 =	vld.idx.msk [tilespmem:v19+s12+$0x0], $0xffff  }
0x315: {  	s28 =	sadd.s32 $0x2, s24  }
0x316: {  	v17 =	vadd.s32 s28, v0  }
0x317: {  	v18 =	vor.u32 v15, v18;
	v19 =	vand.u32 $0x3F, v17;
	v17 =	vshll.u32 v17, $0x7  }
0x318: {  	v20 =	vor.u32 v1, v19;
	v17 =	vand.u32 $0x1F80, v17;
	_ =	sdelay $0x1  }
0x319: {  	v16 =	vmul.f32 $8.000000000e+00, v16;
	_ =	sdelay $0x1  }
0x31a: {  	[tilespmem:v18+s18+$0x0] =	vst.idx.msk $0xffff, v16  }
0x31b: {  	v16 =	vld.idx.msk [tilespmem:v20+s12+$0x0], $0xffff;
	_ =	sdelay $0x2  }
0x31c: {  	v18 =	vor.u32 v0, v17  }
0x31d: {  	v20 =	vor.u32 v2, v19;
	_ =	sdelay $0x1  }
0x31e: {  	v16 =	vmul.f32 $8.000000000e+00, v16;
	_ =	sdelay $0x1  }
0x31f: {  	[tilespmem:v18+s18+$0x0] =	vst.idx.msk $0xffff, v16  }
0x320: {  	v16 =	vld.idx.msk [tilespmem:v20+s12+$0x0], $0xffff;
	_ =	sdelay $0x2  }
0x321: {  	v18 =	vor.u32 v3, v17  }
0x322: {  	v20 =	vor.u32 v4, v19;
	_ =	sdelay $0x1  }
0x323: {  	v16 =	vmul.f32 $8.000000000e+00, v16;
	_ =	sdelay $0x1  }
0x324: {  	[tilespmem:v18+s18+$0x0] =	vst.idx.msk $0xffff, v16  }
0x325: {  	v16 =	vld.idx.msk [tilespmem:v20+s12+$0x0], $0xffff;
	_ =	sdelay $0x2  }
0x326: {  	v18 =	vor.u32 v5, v17  }
0x327: {  	v20 =	vor.u32 v6, v19;
	_ =	sdelay $0x1  }
0x328: {  	v16 =	vmul.f32 $8.000000000e+00, v16;
	_ =	sdelay $0x1  }
0x329: {  	[tilespmem:v18+s18+$0x0] =	vst.idx.msk $0xffff, v16  }
0x32a: {  	v16 =	vld.idx.msk [tilespmem:v20+s12+$0x0], $0xffff;
	_ =	sdelay $0x2  }
0x32b: {  	v18 =	vor.u32 v7, v17  }
0x32c: {  	v20 =	vor.u32 v8, v19;
	_ =	sdelay $0x1  }
0x32d: {  	v16 =	vmul.f32 $8.000000000e+00, v16;
	_ =	sdelay $0x1  }
0x32e: {  	[tilespmem:v18+s18+$0x0] =	vst.idx.msk $0xffff, v16  }
0x32f: {  	v16 =	vld.idx.msk [tilespmem:v20+s12+$0x0], $0xffff;
	_ =	sdelay $0x2  }
0x330: {  	v18 =	vor.u32 v9, v17  }
0x331: {  	v20 =	vor.u32 v10, v19;
	_ =	sdelay $0x1  }
0x332: {  	v16 =	vmul.f32 $8.000000000e+00, v16;
	_ =	sdelay $0x1  }
0x333: {  	[tilespmem:v18+s18+$0x0] =	vst.idx.msk $0xffff, v16  }
0x334: {  	v16 =	vld.idx.msk [tilespmem:v20+s12+$0x0], $0xffff;
	_ =	sdelay $0x2  }
0x335: {  	v18 =	vor.u32 v11, v17  }
0x336: {  	v20 =	vor.u32 v12, v19;
	_ =	sdelay $0x1  }
0x337: {  	v16 =	vmul.f32 $8.000000000e+00, v16;
	_ =	sdelay $0x1  }
0x338: {  	[tilespmem:v18+s18+$0x0] =	vst.idx.msk $0xffff, v16  }
0x339: {  	v16 =	vld.idx.msk [tilespmem:v20+s12+$0x0], $0xffff;
	_ =	sdelay $0x2  }
0x33a: {  	v18 =	vor.u32 v13, v17  }
0x33b: {  	v19 =	vor.u32 v14, v19;
	_ =	sdelay $0x1  }
0x33c: {  	v16 =	vmul.f32 $8.000000000e+00, v16;
	_ =	sdelay $0x1  }
0x33d: {  	[tilespmem:v18+s18+$0x0] =	vst.idx.msk $0xffff, v16  }
0x33e: {  	v16 =	vld.idx.msk [tilespmem:v19+s12+$0x0], $0xffff  }
0x33f: {  	s28 =	sadd.s32 $0x3, s24;
	s24 =	smov.u32 s26  }
0x340: {  	v18 =	vadd.s32 s28, v0  }
0x341: {  	v17 =	vor.u32 v15, v17;
	v19 =	vand.u32 $0x3F, v18;
	v18 =	vshll.u32 v18, $0x7  }
0x342: {  	v20 =	vor.u32 v1, v19;
	v18 =	vand.u32 $0x1F80, v18;
	_ =	sdelay $0x1  }
0x343: {  	v16 =	vmul.f32 $8.000000000e+00, v16;
	_ =	sdelay $0x1  }
0x344: {  	[tilespmem:v17+s18+$0x0] =	vst.idx.msk $0xffff, v16  }
0x345: {  	v16 =	vld.idx.msk [tilespmem:v20+s12+$0x0], $0xffff;
	_ =	sdelay $0x2  }
0x346: {  	v17 =	vor.u32 v0, v18  }
0x347: {  	v20 =	vor.u32 v2, v19;
	_ =	sdelay $0x1  }
0x348: {  	v16 =	vmul.f32 $8.000000000e+00, v16;
	_ =	sdelay $0x1  }
0x349: {  	[tilespmem:v17+s18+$0x0] =	vst.idx.msk $0xffff, v16  }
0x34a: {  	v16 =	vld.idx.msk [tilespmem:v20+s12+$0x0], $0xffff;
	_ =	sdelay $0x2  }
0x34b: {  	v17 =	vor.u32 v3, v18  }
0x34c: {  	v20 =	vor.u32 v4, v19;
	_ =	sdelay $0x1  }
0x34d: {  	v16 =	vmul.f32 $8.000000000e+00, v16;
	_ =	sdelay $0x1  }
0x34e: {  	[tilespmem:v17+s18+$0x0] =	vst.idx.msk $0xffff, v16  }
0x34f: {  	v16 =	vld.idx.msk [tilespmem:v20+s12+$0x0], $0xffff;
	_ =	sdelay $0x2  }
0x350: {  	v17 =	vor.u32 v5, v18  }
0x351: {  	v20 =	vor.u32 v6, v19;
	_ =	sdelay $0x1  }
0x352: {  	v16 =	vmul.f32 $8.000000000e+00, v16;
	_ =	sdelay $0x1  }
0x353: {  	[tilespmem:v17+s18+$0x0] =	vst.idx.msk $0xffff, v16  }
0x354: {  	v16 =	vld.idx.msk [tilespmem:v20+s12+$0x0], $0xffff;
	_ =	sdelay $0x2  }
0x355: {  	v17 =	vor.u32 v7, v18  }
0x356: {  	v20 =	vor.u32 v8, v19;
	_ =	sdelay $0x1  }
0x357: {  	v16 =	vmul.f32 $8.000000000e+00, v16;
	_ =	sdelay $0x1  }
0x358: {  	[tilespmem:v17+s18+$0x0] =	vst.idx.msk $0xffff, v16  }
0x359: {  	v16 =	vld.idx.msk [tilespmem:v20+s12+$0x0], $0xffff;
	_ =	sdelay $0x2  }
0x35a: {  	v17 =	vor.u32 v9, v18  }
0x35b: {  	v20 =	vor.u32 v10, v19;
	_ =	sdelay $0x1  }
0x35c: {  	v16 =	vmul.f32 $8.000000000e+00, v16;
	_ =	sdelay $0x1  }
0x35d: {  	[tilespmem:v17+s18+$0x0] =	vst.idx.msk $0xffff, v16  }
0x35e: {  	v16 =	vld.idx.msk [tilespmem:v20+s12+$0x0], $0xffff;
	_ =	sdelay $0x2  }
0x35f: {  	v17 =	vor.u32 v11, v18  }
0x360: {  	v20 =	vor.u32 v12, v19;
	_ =	sdelay $0x1  }
0x361: {  	v16 =	vmul.f32 $8.000000000e+00, v16;
	_ =	sdelay $0x1  }
0x362: {  	[tilespmem:v17+s18+$0x0] =	vst.idx.msk $0xffff, v16  }
0x363: {  	v16 =	vld.idx.msk [tilespmem:v20+s12+$0x0], $0xffff;
	_ =	sdelay $0x2  }
0x364: {  	v17 =	vor.u32 v13, v18  }
0x365: {  	v19 =	vor.u32 v14, v19;
	_ =	sdelay $0x1  }
0x366: {  	v16 =	vmul.f32 $8.000000000e+00, v16;
	_ =	sdelay $0x1  }
0x367: {  	[tilespmem:v17+s18+$0x0] =	vst.idx.msk $0xffff, v16  }
0x368: {  	v20 =	vld.idx.msk [tilespmem:v19+s12+$0x0], $0xffff;
	_ =	sdelay $0x1  }
.Ltmp1:
0x369: {  	v16 =	vadd.s32 s24, v0;
	(pc) =	sbr.rel @p0 .LBB2_5-.Ltmp1, $3  }
0x36a: {  	v17 =	vand.u32 $0x3F, v16;
	v16 =	vshll.u32 v16, $0x7;
	v19 =	vor.u32 v15, v18  }
0x36b: {  	v18 =	vor.u32 v1, v17;
	v16 =	vand.u32 $0x1F80, v16;
	_ =	sdelay $0x1  }
0x36c: {  	v20 =	vmul.f32 $8.000000000e+00, v20  }
0x36d: {  	_ =	sdelay $0x3  }
0x36e: {  	[tilespmem:v19+s18+$0x0] =	vst.idx.msk $0xffff, v20  }
0x36f: {  	v18 =	vld.idx.msk [tilespmem:v18+s12+$0x0], $0xffff;
	_ =	sdelay $0x1  }
0x370: {  	v43 =	vor.u32 v0, v16  }
0x371: {  	v44 =	vor.u32 v2, v17;
	_ =	sdelay $0x1  }
0x372: {  	v18 =	vmul.f32 $8.000000000e+00, v18;
	_ =	sdelay $0x1  }
0x373: {  	[tilespmem:v43+s18+$0x0] =	vst.idx.msk $0xffff, v18  }
0x374: {  	v18 =	vld.idx.msk [tilespmem:v44+s12+$0x0], $0xffff;
	_ =	sdelay $0x1  }
0x375: {  	v45 =	vor.u32 v3, v16  }
0x376: {  	v46 =	vor.u32 v4, v17;
	_ =	sdelay $0x1  }
0x377: {  	v18 =	vmul.f32 $8.000000000e+00, v18;
	_ =	sdelay $0x1  }
0x378: {  	[tilespmem:v45+s18+$0x0] =	vst.idx.msk $0xffff, v18  }
0x379: {  	v18 =	vld.idx.msk [tilespmem:v46+s12+$0x0], $0xffff;
	_ =	sdelay $0x1  }
0x37a: {  	v47 =	vor.u32 v5, v16  }
0x37b: {  	v48 =	vor.u32 v6, v17;
	_ =	sdelay $0x1  }
0x37c: {  	v18 =	vmul.f32 $8.000000000e+00, v18;
	_ =	sdelay $0x1  }
0x37d: {  	[tilespmem:v47+s18+$0x0] =	vst.idx.msk $0xffff, v18  }
0x37e: {  	v18 =	vld.idx.msk [tilespmem:v48+s12+$0x0], $0xffff;
	_ =	sdelay $0x1  }
0x37f: {  	v49 =	vor.u32 v7, v16  }
0x380: {  	v50 =	vor.u32 v8, v17;
	_ =	sdelay $0x1  }
0x381: {  	v18 =	vmul.f32 $8.000000000e+00, v18;
	_ =	sdelay $0x1  }
0x382: {  	[tilespmem:v49+s18+$0x0] =	vst.idx.msk $0xffff, v18  }
0x383: {  	v18 =	vld.idx.msk [tilespmem:v50+s12+$0x0], $0xffff;
	_ =	sdelay $0x1  }
0x384: {  	v51 =	vor.u32 v9, v16  }
0x385: {  	v52 =	vor.u32 v10, v17;
	_ =	sdelay $0x1  }
0x386: {  	v18 =	vmul.f32 $8.000000000e+00, v18;
	_ =	sdelay $0x1  }
0x387: {  	[tilespmem:v51+s18+$0x0] =	vst.idx.msk $0xffff, v18  }
0x388: {  	v18 =	vld.idx.msk [tilespmem:v52+s12+$0x0], $0xffff;
	_ =	sdelay $0x1  }
0x389: {  	v53 =	vor.u32 v11, v16  }
0x38a: {  	v54 =	vor.u32 v12, v17;
	_ =	sdelay $0x1  }
0x38b: {  	v18 =	vmul.f32 $8.000000000e+00, v18;
	_ =	sdelay $0x1  }
0x38c: {  	[tilespmem:v53+s18+$0x0] =	vst.idx.msk $0xffff, v18  }
0x38d: {  	v18 =	vld.idx.msk [tilespmem:v54+s12+$0x0], $0xffff;
	_ =	sdelay $0x1  }
0x38e: {  	v55 =	vor.u32 v13, v16  }
0x38f: {  	v17 =	vor.u32 v14, v17;
	_ =	sdelay $0x1  }
0x390: {  	v18 =	vmul.f32 $8.000000000e+00, v18;
	_ =	sdelay $0x1  }
0x391: {  	[tilespmem:v55+s18+$0x0] =	vst.idx.msk $0xffff, v18  }
0x392: {  	s25 =	sadd.s32 $0x1, s24;
	v17 =	vld.idx.msk [tilespmem:v17+s12+$0x0], $0xffff  }
0x393: {  	v56 =	vadd.s32 s25, v0  }
0x394: {  	v16 =	vor.u32 v15, v16;
	v57 =	vand.u32 $0x3F, v56  }
0x395: {  	v58 =	vor.u32 v1, v57;
	_ =	sdelay $0x1  }
0x396: {  	v17 =	vmul.f32 $8.000000000e+00, v17;
	_ =	sdelay $0x1  }
0x397: {  	[tilespmem:v16+s18+$0x0] =	vst.idx.msk $0xffff, v17  }
0x398: {  	v16 =	vshll.u32 v56, $0x7;
	v17 =	vld.idx.msk [tilespmem:v58+s12+$0x0], $0xffff  }
0x399: {  	v16 =	vand.u32 $0x1F80, v16  }
0x39a: {  	v59 =	vor.u32 v0, v16  }
0x39b: {  	v60 =	vor.u32 v2, v57;
	_ =	sdelay $0x1  }
0x39c: {  	v17 =	vmul.f32 $8.000000000e+00, v17;
	_ =	sdelay $0x1  }
0x39d: {  	[tilespmem:v59+s18+$0x0] =	vst.idx.msk $0xffff, v17  }
0x39e: {  	v17 =	vld.idx.msk [tilespmem:v60+s12+$0x0], $0xffff;
	_ =	sdelay $0x1  }
0x39f: {  	v61 =	vor.u32 v3, v16  }
0x3a0: {  	v62 =	vor.u32 v4, v57;
	_ =	sdelay $0x1  }
0x3a1: {  	v17 =	vmul.f32 $8.000000000e+00, v17;
	_ =	sdelay $0x1  }
0x3a2: {  	[tilespmem:v61+s18+$0x0] =	vst.idx.msk $0xffff, v17  }
0x3a3: {  	v17 =	vld.idx.msk [tilespmem:v62+s12+$0x0], $0xffff;
	_ =	sdelay $0x1  }
0x3a4: {  	v63 =	vor.u32 v5, v16  }
0x3a5: {  	v24 =	vor.u32 v6, v57;
	_ =	sdelay $0x1  }
0x3a6: {  	v17 =	vmul.f32 $8.000000000e+00, v17;
	_ =	sdelay $0x1  }
0x3a7: {  	[tilespmem:v63+s18+$0x0] =	vst.idx.msk $0xffff, v17  }
0x3a8: {  	v17 =	vld.idx.msk [tilespmem:v24+s12+$0x0], $0xffff;
	_ =	sdelay $0x1  }
0x3a9: {  	v25 =	vor.u32 v7, v16  }
0x3aa: {  	v26 =	vor.u32 v8, v57;
	_ =	sdelay $0x1  }
0x3ab: {  	v17 =	vmul.f32 $8.000000000e+00, v17;
	_ =	sdelay $0x1  }
0x3ac: {  	[tilespmem:v25+s18+$0x0] =	vst.idx.msk $0xffff, v17  }
0x3ad: {  	v17 =	vld.idx.msk [tilespmem:v26+s12+$0x0], $0xffff;
	_ =	sdelay $0x1  }
0x3ae: {  	v27 =	vor.u32 v9, v16  }
0x3af: {  	v28 =	vor.u32 v10, v57;
	_ =	sdelay $0x1  }
0x3b0: {  	v17 =	vmul.f32 $8.000000000e+00, v17;
	_ =	sdelay $0x1  }
0x3b1: {  	[tilespmem:v27+s18+$0x0] =	vst.idx.msk $0xffff, v17  }
0x3b2: {  	v17 =	vld.idx.msk [tilespmem:v28+s12+$0x0], $0xffff;
	_ =	sdelay $0x1  }
0x3b3: {  	v29 =	vor.u32 v11, v16  }
0x3b4: {  	v30 =	vor.u32 v12, v57;
	_ =	sdelay $0x1  }
0x3b5: {  	v17 =	vmul.f32 $8.000000000e+00, v17;
	_ =	sdelay $0x1  }
0x3b6: {  	[tilespmem:v29+s18+$0x0] =	vst.idx.msk $0xffff, v17  }
0x3b7: {  	v17 =	vld.idx.msk [tilespmem:v30+s12+$0x0], $0xffff;
	_ =	sdelay $0x1  }
0x3b8: {  	v31 =	vor.u32 v13, v16  }
0x3b9: {  	v19 =	vor.u32 v14, v57;
	_ =	sdelay $0x1  }
0x3ba: {  	v17 =	vmul.f32 $8.000000000e+00, v17;
	_ =	sdelay $0x1  }
0x3bb: {  	[tilespmem:v31+s18+$0x0] =	vst.idx.msk $0xffff, v17  }
0x3bc: {  	s30 =	sadd.s32 $0x2, s24;
	v17 =	vld.idx.msk [tilespmem:v19+s12+$0x0], $0xffff  }
0x3bd: {  	v32 =	vadd.s32 s30, v0  }
0x3be: {  	v33 =	vand.u32 $0x3F, v32;
	v16 =	vor.u32 v15, v16  }
0x3bf: {  	v34 =	vor.u32 v1, v33;
	_ =	sdelay $0x1  }
0x3c0: {  	v17 =	vmul.f32 $8.000000000e+00, v17;
	_ =	sdelay $0x1  }
0x3c1: {  	[tilespmem:v16+s18+$0x0] =	vst.idx.msk $0xffff, v17  }
0x3c2: {  	v16 =	vshll.u32 v32, $0x7;
	v17 =	vld.idx.msk [tilespmem:v34+s12+$0x0], $0xffff  }
0x3c3: {  	v16 =	vand.u32 $0x1F80, v16  }
0x3c4: {  	v35 =	vor.u32 v0, v16  }
0x3c5: {  	v36 =	vor.u32 v2, v33;
	_ =	sdelay $0x1  }
0x3c6: {  	v17 =	vmul.f32 $8.000000000e+00, v17;
	_ =	sdelay $0x1  }
0x3c7: {  	[tilespmem:v35+s18+$0x0] =	vst.idx.msk $0xffff, v17  }
0x3c8: {  	v17 =	vld.idx.msk [tilespmem:v36+s12+$0x0], $0xffff;
	_ =	sdelay $0x1  }
0x3c9: {  	v37 =	vor.u32 v3, v16  }
0x3ca: {  	v38 =	vor.u32 v4, v33;
	_ =	sdelay $0x1  }
0x3cb: {  	v17 =	vmul.f32 $8.000000000e+00, v17;
	_ =	sdelay $0x1  }
0x3cc: {  	[tilespmem:v37+s18+$0x0] =	vst.idx.msk $0xffff, v17  }
0x3cd: {  	v17 =	vld.idx.msk [tilespmem:v38+s12+$0x0], $0xffff;
	_ =	sdelay $0x1  }
0x3ce: {  	v39 =	vor.u32 v5, v16  }
0x3cf: {  	v40 =	vor.u32 v6, v33;
	_ =	sdelay $0x1  }
0x3d0: {  	v17 =	vmul.f32 $8.000000000e+00, v17;
	_ =	sdelay $0x1  }
0x3d1: {  	[tilespmem:v39+s18+$0x0] =	vst.idx.msk $0xffff, v17  }
0x3d2: {  	v17 =	vld.idx.msk [tilespmem:v40+s12+$0x0], $0xffff;
	_ =	sdelay $0x1  }
0x3d3: {  	v41 =	vor.u32 v7, v16  }
0x3d4: {  	v42 =	vor.u32 v8, v33;
	_ =	sdelay $0x1  }
0x3d5: {  	v17 =	vmul.f32 $8.000000000e+00, v17;
	_ =	sdelay $0x1  }
0x3d6: {  	[tilespmem:v41+s18+$0x0] =	vst.idx.msk $0xffff, v17  }
0x3d7: {  	v17 =	vld.idx.msk [tilespmem:v42+s12+$0x0], $0xffff;
	_ =	sdelay $0x1  }
0x3d8: {  	v43 =	vor.u32 v9, v16  }
0x3d9: {  	v44 =	vor.u32 v10, v33;
	_ =	sdelay $0x1  }
0x3da: {  	v17 =	vmul.f32 $8.000000000e+00, v17;
	_ =	sdelay $0x1  }
0x3db: {  	[tilespmem:v43+s18+$0x0] =	vst.idx.msk $0xffff, v17  }
0x3dc: {  	v17 =	vld.idx.msk [tilespmem:v44+s12+$0x0], $0xffff;
	_ =	sdelay $0x1  }
0x3dd: {  	v45 =	vor.u32 v11, v16  }
0x3de: {  	v46 =	vor.u32 v12, v33;
	_ =	sdelay $0x1  }
0x3df: {  	v17 =	vmul.f32 $8.000000000e+00, v17;
	_ =	sdelay $0x1  }
0x3e0: {  	[tilespmem:v45+s18+$0x0] =	vst.idx.msk $0xffff, v17  }
0x3e1: {  	v17 =	vld.idx.msk [tilespmem:v46+s12+$0x0], $0xffff;
	_ =	sdelay $0x1  }
0x3e2: {  	v47 =	vor.u32 v13, v16  }
0x3e3: {  	v19 =	vor.u32 v14, v33;
	_ =	sdelay $0x1  }
0x3e4: {  	v17 =	vmul.f32 $8.000000000e+00, v17;
	_ =	sdelay $0x1  }
0x3e5: {  	[tilespmem:v47+s18+$0x0] =	vst.idx.msk $0xffff, v17  }
0x3e6: {  	s31 =	sadd.s32 $0x3, s24;
	v17 =	vld.idx.msk [tilespmem:v19+s12+$0x0], $0xffff  }
0x3e7: {  	v48 =	vadd.s32 s31, v0  }
0x3e8: {  	v49 =	vand.u32 $0x3F, v48;
	v16 =	vor.u32 v15, v16  }
0x3e9: {  	v50 =	vor.u32 v1, v49;
	_ =	sdelay $0x1  }
0x3ea: {  	v17 =	vmul.f32 $8.000000000e+00, v17;
	_ =	sdelay $0x1  }
0x3eb: {  	[tilespmem:v16+s18+$0x0] =	vst.idx.msk $0xffff, v17  }
0x3ec: {  	v16 =	vshll.u32 v48, $0x7;
	v17 =	vld.idx.msk [tilespmem:v50+s12+$0x0], $0xffff  }
0x3ed: {  	v16 =	vand.u32 $0x1F80, v16  }
0x3ee: {  	v51 =	vor.u32 v0, v16  }
0x3ef: {  	v52 =	vor.u32 v2, v49;
	_ =	sdelay $0x1  }
0x3f0: {  	v17 =	vmul.f32 $8.000000000e+00, v17;
	_ =	sdelay $0x1  }
0x3f1: {  	[tilespmem:v51+s18+$0x0] =	vst.idx.msk $0xffff, v17  }
0x3f2: {  	v17 =	vld.idx.msk [tilespmem:v52+s12+$0x0], $0xffff;
	_ =	sdelay $0x1  }
0x3f3: {  	v53 =	vor.u32 v3, v16  }
0x3f4: {  	v54 =	vor.u32 v4, v49;
	_ =	sdelay $0x1  }
0x3f5: {  	v17 =	vmul.f32 $8.000000000e+00, v17;
	_ =	sdelay $0x1  }
0x3f6: {  	[tilespmem:v53+s18+$0x0] =	vst.idx.msk $0xffff, v17  }
0x3f7: {  	v17 =	vld.idx.msk [tilespmem:v54+s12+$0x0], $0xffff;
	_ =	sdelay $0x1  }
0x3f8: {  	v55 =	vor.u32 v5, v16  }
0x3f9: {  	v56 =	vor.u32 v6, v49;
	_ =	sdelay $0x1  }
0x3fa: {  	v17 =	vmul.f32 $8.000000000e+00, v17;
	_ =	sdelay $0x1  }
0x3fb: {  	[tilespmem:v55+s18+$0x0] =	vst.idx.msk $0xffff, v17  }
0x3fc: {  	v17 =	vld.idx.msk [tilespmem:v56+s12+$0x0], $0xffff;
	_ =	sdelay $0x1  }
0x3fd: {  	v57 =	vor.u32 v7, v16  }
0x3fe: {  	v58 =	vor.u32 v8, v49;
	_ =	sdelay $0x1  }
0x3ff: {  	v17 =	vmul.f32 $8.000000000e+00, v17;
	_ =	sdelay $0x1  }
0x400: {  	[tilespmem:v57+s18+$0x0] =	vst.idx.msk $0xffff, v17  }
0x401: {  	v17 =	vld.idx.msk [tilespmem:v58+s12+$0x0], $0xffff;
	_ =	sdelay $0x1  }
0x402: {  	v59 =	vor.u32 v9, v16  }
0x403: {  	v60 =	vor.u32 v10, v49;
	_ =	sdelay $0x1  }
0x404: {  	v17 =	vmul.f32 $8.000000000e+00, v17;
	_ =	sdelay $0x1  }
0x405: {  	[tilespmem:v59+s18+$0x0] =	vst.idx.msk $0xffff, v17  }
0x406: {  	v17 =	vld.idx.msk [tilespmem:v60+s12+$0x0], $0xffff;
	_ =	sdelay $0x1  }
0x407: {  	v61 =	vor.u32 v11, v16  }
0x408: {  	v62 =	vor.u32 v12, v49;
	_ =	sdelay $0x1  }
0x409: {  	v17 =	vmul.f32 $8.000000000e+00, v17;
	_ =	sdelay $0x1  }
0x40a: {  	[tilespmem:v61+s18+$0x0] =	vst.idx.msk $0xffff, v17  }
0x40b: {  	v17 =	vld.idx.msk [tilespmem:v62+s12+$0x0], $0xffff;
	_ =	sdelay $0x1  }
0x40c: {  	v63 =	vor.u32 v13, v16  }
0x40d: {  	v19 =	vor.u32 v14, v49;
	_ =	sdelay $0x1  }
0x40e: {  	v17 =	vmul.f32 $8.000000000e+00, v17;
	_ =	sdelay $0x1  }
0x40f: {  	[tilespmem:v63+s18+$0x0] =	vst.idx.msk $0xffff, v17  }
0x410: {  	v17 =	vld.idx.msk [tilespmem:v19+s12+$0x0], $0xffff;
	_ =	sdelay $0x1  }
0x411: {  	s22 =	sadd.s32 $0x1, s22;
	v16 =	vor.u32 v15, v16  }
0x412: {  	p0 =	sne.s32 s22, $0x64  }
.Ltmp2:
0x413: {  	s23 =	sshll.u32 s23, $0x12;
	(pc) =	sbr.rel @p0 .LBB2_2-.Ltmp2, $4  }
0x414: {  	s23 =	sor.u32 s6, s23;
	v17 =	vmul.f32 $8.000000000e+00, v17  }
0x415: {  	s23 =	sshrl.u32 s23, $0x3  }
0x416: {  	s23 =	sadd.s32 s2, s23;
	[tilespmem:v16+s18+$0x0] =	vst.idx.msk $0xffff, v17  }
0x417: {  	[hbm4b:s23+s15] =	stream.strided.scatter [tilespmem:s18], [sflag:$0x4], $0x2000, s16, s15, $0x38;
	[tilespmem:$0x12400] =	vst v63  }
0x418: {  	s21 =	sadd.s32 $0x1, s21  }
0x419: {  	_ =	swait.ge [sflag:s19], $0x2000;
	p0 =	sne.s32 s21, s7  }
.Ltmp3:
0x41a: {  	[sflag:s19] =	ssyncset.done $0x0;
	(pc) =	sbr.rel @p0 .LBB2_1-.Ltmp3, $4  }
0x41b: {  	[sflag:s19] =	ssyncadd.s32 $0xFFFFE000  }
0x41c: {  	_ =	swait.ge [sflag:s20], $0x2000  }
0x41d: {  	[sflag:s20] =	ssyncset.done $0x0  }
0x41e: {  	[sflag:s20] =	ssyncadd.s32 $0xFFFFE000  }
0x41f: {  	_ =	sfence.sel $0x180000  }
0x420: {  	[bflag:$0x0] =	sbarrier.arrive $0xFFFF  }
0x421: {  	p0 =	sne.s32 s1, $0x0;
	_ =	strace $0x90000047  }
0x422: {  	s0 =	sadd.s32 @!p0 $0x100000, s0;
	[bflag:$0x2] =	sbarrier.arrive $0xFFFF  }
0x423: {  	[sflag:s0] =	ssyncadd.tile.s32 @!p0 $0x1;
	_ =	shalt  }
.Lfunc_end2:
_tile_overlayer_lowered:
.L_overlay_start_2:
0x424: {  	(tag) =	ssettag $0x2  }
0x425: {  	s0 =	rddreg [dreg:$0x0];
	s2 =	stileid.u32  }
0x426: {  	s1 =	rddreg [dreg:$0x1];
	p0 =	sne.s32 s2, $0x0  }
0x427: {  	s3 =	rddreg [dreg:$0x2];
	[bflag:$0x3] =	sbarrier.arrive $0xFFFF;
	s2 =	simm.s32 @!p0 $0x1C05  }
0x428: {  	[timem:s3], [sflag:s2] =	dma.local @!p0 [hbm:s0], s1  }
0x429: {  	s0 =	simm.s32 @!p0 $0x5  }
0x42a: {  	_ =	swait.ge @!p0 [sflag:s0], s1  }
0x42b: {  	s1 =	ssub.s32 @!p0 $0x0, s1;
	[sflag:s0] =	ssyncset.done @!p0 $0x0  }
0x42c: {  	[sflag:s0] =	ssyncadd.s32 @!p0 s1  }
0x42d: {  	[bflag:$0x3] =	sbarrier.arrive $0xFFFF  }
0x42e: {  	_ =	shalt  }

</sc_bundles>
